<compile_context>
chip_gen: v7x
topology: tpu7x:2x2x1
jax: 0.10.2.dev20260603
libtpu: 0.0.44.dev20260713+nightly
codegen_flags: <defaults>
</compile_context>

<pallas_src>
import jax
import jax.numpy as jnp
from jax import lax
from jax.experimental import pallas as pl
from jax.experimental.pallas import tpu as pltpu
from jax.experimental.pallas import tpu_sc as plsc

N = 10000
D = 128
E = 320000
NSC = 2
NSUB = 16
NT = NSC * NSUB
CH = 128
EPT = 10112
EP = NT * EPT
NCH = EPT // CH
NROW = 10240
RPT = NROW // NSUB
ZR = 64
WB = 632
WBL = N - WB * (NSUB - 1)


def _writeback(acc_sh, out, c, s):
  @pl.when(s < NSUB - 1)
  def _():
    pltpu.sync_copy(acc_sh.at[pl.ds(s * WB, WB)], out.at[c, pl.ds(s * WB, WB)])

  @pl.when(s == NSUB - 1)
  def _():
    pltpu.sync_copy(acc_sh.at[pl.ds((NSUB - 1) * WB, WBL)],
                    out.at[c, pl.ds((NSUB - 1) * WB, WBL)])


def _deg_body(dstp, out, dst_v, ones_v, zb, deg_sh):
  c = lax.axis_index("c")
  s = lax.axis_index("s")
  w = c * NSUB + s

  def fill_ones(i, _):
    ones_v[i, :] = jnp.ones((16,), jnp.float32)
    return _
  lax.fori_loop(0, CH, fill_ones, None)

  def fill_zero(i, _):
    zb[i, :] = jnp.zeros((16,), jnp.float32)
    return _
  lax.fori_loop(0, ZR, fill_zero, None)

  def zero_acc(i, _):
    pltpu.sync_copy(zb, deg_sh.at[pl.ds(s * RPT + i * ZR, ZR)])
    return _
  lax.fori_loop(0, RPT // ZR, zero_acc, None)
  plsc.subcore_barrier()

  base0 = w * EPT

  def step(i, _):
    base = pl.multiple_of(base0 + i * CH, 8)
    pltpu.sync_copy(dstp.at[pl.ds(base, CH)], dst_v)
    pltpu.sync_copy(ones_v, deg_sh.at[dst_v], add=True)
    return _
  lax.fori_loop(0, NCH, step, None)
  plsc.subcore_barrier()

  _writeback(deg_sh, out, c, s)


_deg_call = pl.kernel(
    _deg_body,
    out_type=jax.ShapeDtypeStruct((NSC, N, 16), jnp.float32),
    mesh=plsc.VectorSubcoreMesh(core_axis_name="c", subcore_axis_name="s"),
    scratch_types=[
        pltpu.VMEM((CH,), jnp.int32),
        pltpu.VMEM((CH, 16), jnp.float32),
        pltpu.VMEM((ZR, 16), jnp.float32),
        pltpu.VMEM_SHARED((NROW, 16), jnp.float32),
    ],
)


def _agg_body(g, srcp, dstp, out, src_v, dst_v, rows_v, zb, acc_sh, sem):
  c = lax.axis_index("c")
  s = lax.axis_index("s")
  w = c * NSUB + s

  def fill_zero(i, _):
    r = i // 8
    j = i % 8
    zb[r, pl.ds(j * 16, 16)] = jnp.zeros((16,), jnp.float32)
    return _
  lax.fori_loop(0, ZR * 8, fill_zero, None)

  def zero_acc(i, _):
    pltpu.sync_copy(zb, acc_sh.at[pl.ds(s * RPT + i * ZR, ZR)])
    return _
  lax.fori_loop(0, RPT // ZR, zero_acc, None)
  plsc.subcore_barrier()

  base0 = w * EPT

  def step(i, _):
    base = pl.multiple_of(base0 + i * CH, 8)
    pltpu.sync_copy(srcp.at[pl.ds(base, CH)], src_v)
    pltpu.sync_copy(dstp.at[pl.ds(base, CH)], dst_v)
    pltpu.async_copy(g.at[src_v], rows_v, sem).wait()
    pltpu.sync_copy(rows_v, acc_sh.at[dst_v], add=True)
    return _
  lax.fori_loop(0, NCH, step, None)
  plsc.subcore_barrier()

  _writeback(acc_sh, out, c, s)


_agg_call = pl.kernel(
    _agg_body,
    out_type=jax.ShapeDtypeStruct((NSC, N, D), jnp.float32),
    mesh=plsc.VectorSubcoreMesh(core_axis_name="c", subcore_axis_name="s"),
    scratch_types=[
        pltpu.VMEM((CH,), jnp.int32),
        pltpu.VMEM((CH,), jnp.int32),
        pltpu.VMEM((CH, D), jnp.float32),
        pltpu.VMEM((ZR, D), jnp.float32),
        pltpu.VMEM_SHARED((NROW, D), jnp.float32),
        pltpu.SemaphoreType.DMA,
    ],
)

BM = 1000


def _dinv(degc):
  deg = (degc[0] + degc[1])[:, 0:1] + 1.0
  return lax.rsqrt(deg)


def _tc1_body(degc, x, w1, g1):
  dinv = _dinv(degc)
  g1[...] = jnp.dot(x[...], w1[...], preferred_element_type=jnp.float32) * dinv


def _tc2_body(degc, agg1, g1, b1, w2, g2):
  dinv = _dinv(degc)
  a = agg1[0] + agg1[1] + g1[...]
  x2 = jnp.maximum(a * dinv + b1[...], 0.0)
  g2[...] = jnp.dot(x2, w2[...], preferred_element_type=jnp.float32) * dinv


def _tc3_body(degc, agg2, g2, b2, wp1, bp1, wp2, bp2, z):
  dinv = _dinv(degc)
  a = agg2[0] + agg2[1] + g2[...]
  h = a * dinv + b2[...]
  t = jnp.maximum(
      jnp.dot(h, wp1[...], preferred_element_type=jnp.float32) + bp1[...], 0.0)
  z[...] = jnp.dot(t, wp2[...], preferred_element_type=jnp.float32) + bp2[...]


def _degc_spec():
  return pl.BlockSpec((NSC, BM, 16), lambda i: (0, i, 0))


def _rows_spec(d=D):
  return pl.BlockSpec((BM, d), lambda i: (i, 0))


def _agg_spec():
  return pl.BlockSpec((NSC, BM, D), lambda i: (0, i, 0))


def _full_spec(r, c):
  return pl.BlockSpec((r, c), lambda i: (0, 0))


_tc1 = pl.pallas_call(
    _tc1_body,
    grid=(N // BM,),
    in_specs=[_degc_spec(), _rows_spec(), _full_spec(D, D)],
    out_specs=_rows_spec(),
    out_shape=jax.ShapeDtypeStruct((N, D), jnp.float32),
)

_tc2 = pl.pallas_call(
    _tc2_body,
    grid=(N // BM,),
    in_specs=[_degc_spec(), _agg_spec(), _rows_spec(), _full_spec(1, D),
              _full_spec(D, D)],
    out_specs=_rows_spec(),
    out_shape=jax.ShapeDtypeStruct((N, D), jnp.float32),
)

_tc3 = pl.pallas_call(
    _tc3_body,
    grid=(N // BM,),
    in_specs=[_degc_spec(), _agg_spec(), _rows_spec(), _full_spec(1, D),
              _full_spec(D, 64), _full_spec(1, 64), _full_spec(64, D),
              _full_spec(1, D)],
    out_specs=_rows_spec(),
    out_shape=jax.ShapeDtypeStruct((N, D), jnp.float32),
)


def kernel(X, edge_index, W1, b1, W2, b2, Wp1, bp1, Wp2, bp2):
  ei = edge_index.astype(jnp.int32)
  src = jnp.concatenate([ei[0], jnp.zeros((EP - E,), jnp.int32)])
  padj = N + jnp.arange(EP - E, dtype=jnp.int32) % (NROW - N)
  dst = jnp.concatenate([ei[1], padj])

  degc = _deg_call(dst)
  g1 = _tc1(degc, X, W1)
  agg1 = _agg_call(g1, src, dst)
  g2 = _tc2(degc, agg1, g1, b1.reshape(1, D), W2)
  agg2 = _agg_call(g2, src, dst)
  z = _tc3(degc, agg2, g2, b2.reshape(1, D), Wp1, bp1.reshape(1, 64), Wp2,
           bp2.reshape(1, D))
  return z

# --- scband reference (transcript-rebuilt; emitter-appended) ---
"""Pipeline reference for scband-contrastive-model-34333968564542 (READ-ONLY COPY).

The authoritative reference and input builder live on the scoring server;
editing this copy changes nothing except your own understanding.
"""

import jax, jax.numpy as jnp
import numpy as np

N = 10000
E = 320000
IN_DIM = 128
HID = 128
OUT = 128
PROJ = 64


def gcn_conv(x, edge_index, W, b):
    # PyG-style GCNConv: add self-loops, symmetric normalization, scatter-add aggregation
    n = x.shape[0]
    loop = jnp.arange(n, dtype=edge_index.dtype)
    src = jnp.concatenate([edge_index[0], loop])
    dst = jnp.concatenate([edge_index[1], loop])
    deg = jnp.zeros((n,), dtype=x.dtype).at[dst].add(1.0)
    dinv = jnp.where(deg > 0, deg ** -0.5, 0.0)
    norm = dinv[src] * dinv[dst]
    h = x @ W
    msg = h[src] * norm[:, None]
    out = jnp.zeros((n, h.shape[1]), dtype=x.dtype).at[dst].add(msg)
    return out + b


def setup_inputs(seed: int = 0):
    key = jax.random.key(seed)
    ks = jax.random.split(key, 12)
    X = jax.random.normal(ks[0], (N, IN_DIM), dtype=jnp.float32)
    edge_index = jax.random.randint(ks[1], (2, E), 0, N)
    W1 = jax.random.normal(ks[2], (IN_DIM, HID), dtype=jnp.float32) * (1.0 / np.sqrt(IN_DIM))
    b1 = jnp.zeros((HID,), dtype=jnp.float32)
    W2 = jax.random.normal(ks[3], (HID, OUT), dtype=jnp.float32) * (1.0 / np.sqrt(HID))
    b2 = jnp.zeros((OUT,), dtype=jnp.float32)
    Wp1 = jax.random.normal(ks[4], (OUT, PROJ), dtype=jnp.float32) * (1.0 / np.sqrt(OUT))
    bp1 = jnp.zeros((PROJ,), dtype=jnp.float32)
    Wp2 = jax.random.normal(ks[5], (PROJ, OUT), dtype=jnp.float32) * (1.0 / np.sqrt(PROJ))
    bp2 = jnp.zeros((OUT,), dtype=jnp.float32)
    return {"X": X, "edge_index": edge_index, "W1": W1, "b1": b1, "W2": W2, "b2": b2, "Wp1": Wp1, "bp1": bp1, "Wp2": Wp2, "bp2": bp2}


def reference(X, edge_index, W1, b1, W2, b2, Wp1, bp1, Wp2, bp2):
    # GCNEncoder (eval mode: dropout is identity)
    h = gcn_conv(X, edge_index, W1, b1)
    h = jax.nn.relu(h)
    h = gcn_conv(h, edge_index, W2, b2)
    # ProjectionHead
    z = h @ Wp1 + bp1
    z = jax.nn.relu(z)
    z = z @ Wp2 + bp2
    return z

if __name__ == "__main__":
    import jax
    _d = setup_inputs()
    print(jax.jit(kernel)(*tuple(_d.values())))

</pallas_src>

<mosaic_0001>
#map = affine_map<(d0, d1) -> (0, 0)>
#map1 = affine_map<(d0, d1) -> (0)>
#map2 = affine_map<(d0, d1) -> (0, 0, 0)>
module attributes {stable_mosaic.version = 14 : i64} {
  func.func @_agg_body(%arg0: i32, %arg1: i32, %arg2: memref<10000x128xf32, #tpu.memory_space<hbm>>, %arg3: memref<323584xi32, #tpu.memory_space<hbm>>, %arg4: memref<323584xi32, #tpu.memory_space<hbm>>, %arg5: memref<2x10000x128xf32, #tpu.memory_space<hbm>>, %arg6: memref<128xi32, #tpu.memory_space<vmem>>, %arg7: memref<128xi32, #tpu.memory_space<vmem>>, %arg8: memref<128x128xf32, #tpu.memory_space<vmem>>, %arg9: memref<64x128xf32, #tpu.memory_space<vmem>>, %arg10: memref<10240x128xf32, #tpu.memory_space<vmem_shared>>, %arg11: memref<!tpu.dma_semaphore, #tpu.memory_space<semaphore_mem>>) attributes {dimension_semantics = [#tpu.dimension_semantics<core_parallel>, #tpu.dimension_semantics<subcore_parallel>], iteration_bounds = array<i64: 2, 16>, scalar_prefetch = 0 : i64, scratch_operands = 6 : i64, tpu.core_type = #tpu.core_type<sc_vector_subcore>, window_params = [{transform_indices = #map}, {transform_indices = #map1}, {transform_indices = #map1}, {transform_indices = #map2}]} {
    %mul3A = arith.constant 16 : i32
    %mul3A_0 = arith.muli %arg0, %mul3A : i32
    %add3A = arith.addi %mul3A_0, %arg1 : i32
    %scan3A = arith.constant 0 : i32
    %scan3A_1 = arith.constant 512 : i32
    %scan3A_2 = arith.addi %scan3A, %scan3A_1 : i32
    %scan3A_3 = arith.constant 1 : i32
    scf.for %scan3A_24 = %scan3A to %scan3A_2 step %scan3A_3  : i32 {
      %jit3A = arith.constant 8 : i32
      %div3A = arith.divsi %scan3A_24, %jit3A : i32
      %sign3A = arith.constant 0 : i32
      %sign3A_25 = arith.cmpi sgt, %scan3A_24, %sign3A : i32
      %sign3A_26 = arith.extui %sign3A_25 : i1 to i32
      %sign3A_27 = arith.constant 0 : i32
      %sign3A_28 = arith.cmpi slt, %scan3A_24, %sign3A_27 : i32
      %sign3A_29 = arith.extui %sign3A_28 : i1 to i32
      %sign3A_30 = arith.subi %sign3A_26, %sign3A_29 : i32
      %sign3A_31 = arith.constant 0 : i32
      %sign3A_32 = arith.cmpi sgt, %jit3A, %sign3A_31 : i32
      %sign3A_33 = arith.extui %sign3A_32 : i1 to i32
      %sign3A_34 = arith.constant 0 : i32
      %sign3A_35 = arith.cmpi slt, %jit3A, %sign3A_34 : i32
      %sign3A_36 = arith.extui %sign3A_35 : i1 to i32
      %sign3A_37 = arith.subi %sign3A_33, %sign3A_36 : i32
      %ne3A = arith.cmpi ne, %sign3A_30, %sign3A_37 : i32
      %rem3A = arith.remsi %scan3A_24, %jit3A : i32
      %ne3A_38 = arith.constant 0 : i32
      %ne3A_39 = arith.cmpi ne, %rem3A, %ne3A_38 : i32
      %and3A = arith.andi %ne3A, %ne3A_39 : i1
      %sub3A = arith.constant 1 : i32
      %sub3A_40 = arith.subi %div3A, %sub3A : i32
      %select_n3A = arith.select %and3A, %sub3A_40, %div3A : i32
      %jit3A_41 = arith.constant 8 : i32
      %eq3A_42 = arith.constant 0 : i32
      %eq3A_43 = arith.cmpi eq, %jit3A_41, %eq3A_42 : i32
      %jit3A_44 = arith.constant 1 : i32
      %select_n3A_45 = arith.select %eq3A_43, %jit3A_44, %jit3A_41 : i32
      %rem3A_46 = arith.remsi %scan3A_24, %select_n3A_45 : i32
      %ne3A_47 = arith.constant 0 : i32
      %ne3A_48 = arith.cmpi ne, %rem3A_46, %ne3A_47 : i32
      %lt3A_49 = arith.constant 0 : i32
      %lt3A_50 = arith.cmpi slt, %rem3A_46, %lt3A_49 : i32
      %lt3A_51 = arith.constant 0 : i32
      %lt3A_52 = arith.cmpi slt, %select_n3A_45, %lt3A_51 : i32
      %ne3A_53 = arith.xori %lt3A_50, %lt3A_52 : i1
      %and3A_54 = arith.andi %ne3A_53, %ne3A_48 : i1
      %add3A_55 = arith.addi %rem3A_46, %select_n3A_45 : i32
      %select_n3A_56 = arith.select %and3A_54, %add3A_55, %rem3A_46 : i32
      %broadcast_in_dim3A = arith.constant 0.000000e+00 : f32
      %broadcast_in_dim3A_57 = vector.broadcast %broadcast_in_dim3A : f32 to vector<16xf32>
      %mul3A_58 = arith.constant 16 : i32
      %mul3A_59 = arith.muli %select_n3A_56, %mul3A_58 : i32
      %swap3A = arith.index_cast %select_n3A : i32 to index
      %swap3A_60 = arith.index_cast %mul3A_59 : i32 to index
      %swap3A_61 = tpu.vector_load %arg9[%swap3A, %swap3A_60] {strides = array<i32>} : memref<64x128xf32, #tpu.memory_space<vmem>>, vector<1x16xf32>,
      %swap3A_62 = vector.shape_cast %swap3A_61 : vector<1x16xf32> to vector<16xf32>
      %swap3A_63 = vector.shape_cast %broadcast_in_dim3A_57 : vector<16xf32> to vector<1x16xf32>
      tpu.vector_store %arg9[%swap3A, %swap3A_60], %swap3A_63 {strides = array<i32>} : memref<64x128xf32, #tpu.memory_space<vmem>>, vector<1x16xf32>,
    }
    %scan3A_4 = arith.constant 512 : i32
    %scan3A_5 = arith.constant 0 : i32
    %scan3A_6 = arith.constant 10 : i32
    %scan3A_7 = arith.addi %scan3A_5, %scan3A_6 : i32
    %scan3A_8 = arith.constant 1 : i32
    scf.for %scan3A_24 = %scan3A_5 to %scan3A_7 step %scan3A_8  : i32 {
      %mul3A_25 = arith.constant 640 : i32
      %mul3A_26 = arith.muli %arg1, %mul3A_25 : i32
      %mul3A_27 = arith.constant 64 : i32
      %mul3A_28 = arith.muli %scan3A_24, %mul3A_27 : i32
      %add3A_29 = arith.addi %mul3A_26, %mul3A_28 : i32
      "tpu.region"() ({
        %run_scoped3A = tpu.sem_alloc : memref<!tpu.dma_semaphore, #tpu.memory_space<semaphore_mem>>
        %dma_start3A = arith.constant 0 : i32
        %dma_start3A_30 = tpu.memref_slice %arg10[%add3A_29, %dma_start3A] : memref<10240x128xf32, #tpu.memory_space<vmem_shared>> -> memref<64x128xf32, #tpu.memory_space<vmem_shared>>
        %dma_start3A_31 = arith.constant 0 : i32
        %dma_start3A_32 = tpu.memref_slice %arg10[%add3A_29, %dma_start3A_31] : memref<10240x128xf32, #tpu.memory_space<vmem_shared>> -> memref<64x128xf32, #tpu.memory_space<vmem_shared>>
        tpu.enqueue_dma source(%arg9 : memref<64x128xf32, #tpu.memory_space<vmem>>) target(%dma_start3A_32 : memref<64x128xf32, #tpu.memory_space<vmem_shared>>) target_semaphore(%run_scoped3A : memref<!tpu.dma_semaphore, #tpu.memory_space<semaphore_mem>>)
        %dma_wait3A = arith.constant 0 : i32
        %dma_wait3A_33 = tpu.memref_slice %arg10[%add3A_29, %dma_wait3A] : memref<10240x128xf32, #tpu.memory_space<vmem_shared>> -> memref<64x128xf32, #tpu.memory_space<vmem_shared>>
        %dma_wait3A_34 = arith.constant 0 : i32
        %dma_wait3A_35 = tpu.memref_slice %arg10[%add3A_29, %dma_wait3A_34] : memref<10240x128xf32, #tpu.memory_space<vmem_shared>> -> memref<64x128xf32, #tpu.memory_space<vmem_shared>>
        tpu.wait_dma2 semaphore(%run_scoped3A : memref<!tpu.dma_semaphore, #tpu.memory_space<semaphore_mem>>) src(%arg9 : memref<64x128xf32, #tpu.memory_space<vmem>>) dst(%dma_wait3A_35 : memref<64x128xf32, #tpu.memory_space<vmem_shared>>)
        tpu.yield
      }) : () -> ()
    }
    %scan3A_9 = arith.constant 10 : i32
    %barrier3A = arith.constant 0 : index
    tpu.barrier barrier_id(%barrier3A)
    %mul3A_10 = arith.constant 10112 : i32
    %mul3A_11 = arith.muli %add3A, %mul3A_10 : i32
    %scan3A_12 = arith.constant 0 : i32
    %scan3A_13 = arith.constant 79 : i32
    %scan3A_14 = arith.addi %scan3A_12, %scan3A_13 : i32
    %scan3A_15 = arith.constant 1 : i32
    scf.for %scan3A_24 = %scan3A_12 to %scan3A_14 step %scan3A_15  : i32 {
      %mul3A_25 = arith.constant 128 : i32
      %mul3A_26 = arith.muli %scan3A_24, %mul3A_25 : i32
      %add3A_27 = arith.addi %mul3A_11, %mul3A_26 : i32
      %multiple_of3A = tpu.assume_multiple %add3A_27, 8 : i32
      "tpu.region"() ({
        %run_scoped3A = tpu.sem_alloc : memref<!tpu.dma_semaphore, #tpu.memory_space<semaphore_mem>>
        %dma_start3A_32 = tpu.memref_slice %arg3[%multiple_of3A] : memref<323584xi32, #tpu.memory_space<hbm>> -> memref<128xi32, #tpu.memory_space<hbm>>
        %dma_start3A_33 = tpu.memref_slice %arg3[%multiple_of3A] : memref<323584xi32, #tpu.memory_space<hbm>> -> memref<128xi32, #tpu.memory_space<hbm>>
        tpu.enqueue_dma source(%dma_start3A_33 : memref<128xi32, #tpu.memory_space<hbm>>) target(%arg6 : memref<128xi32, #tpu.memory_space<vmem>>) target_semaphore(%run_scoped3A : memref<!tpu.dma_semaphore, #tpu.memory_space<semaphore_mem>>)
        %dma_wait3A_34 = tpu.memref_slice %arg3[%multiple_of3A] : memref<323584xi32, #tpu.memory_space<hbm>> -> memref<128xi32, #tpu.memory_space<hbm>>
        %dma_wait3A_35 = tpu.memref_slice %arg3[%multiple_of3A] : memref<323584xi32, #tpu.memory_space<hbm>> -> memref<128xi32, #tpu.memory_space<hbm>>
        tpu.wait_dma2 semaphore(%run_scoped3A : memref<!tpu.dma_semaphore, #tpu.memory_space<semaphore_mem>>) src(%dma_wait3A_35 : memref<128xi32, #tpu.memory_space<hbm>>) dst(%arg6 : memref<128xi32, #tpu.memory_space<vmem>>)
        tpu.yield
      }) : () -> ()
      "tpu.region"() ({
        %run_scoped3A = tpu.sem_alloc : memref<!tpu.dma_semaphore, #tpu.memory_space<semaphore_mem>>
        %dma_start3A_32 = tpu.memref_slice %arg4[%multiple_of3A] : memref<323584xi32, #tpu.memory_space<hbm>> -> memref<128xi32, #tpu.memory_space<hbm>>
        %dma_start3A_33 = tpu.memref_slice %arg4[%multiple_of3A] : memref<323584xi32, #tpu.memory_space<hbm>> -> memref<128xi32, #tpu.memory_space<hbm>>
        tpu.enqueue_dma source(%dma_start3A_33 : memref<128xi32, #tpu.memory_space<hbm>>) target(%arg7 : memref<128xi32, #tpu.memory_space<vmem>>) target_semaphore(%run_scoped3A : memref<!tpu.dma_semaphore, #tpu.memory_space<semaphore_mem>>)
        %dma_wait3A_34 = tpu.memref_slice %arg4[%multiple_of3A] : memref<323584xi32, #tpu.memory_space<hbm>> -> memref<128xi32, #tpu.memory_space<hbm>>
        %dma_wait3A_35 = tpu.memref_slice %arg4[%multiple_of3A] : memref<323584xi32, #tpu.memory_space<hbm>> -> memref<128xi32, #tpu.memory_space<hbm>>
        tpu.wait_dma2 semaphore(%run_scoped3A : memref<!tpu.dma_semaphore, #tpu.memory_space<semaphore_mem>>) src(%dma_wait3A_35 : memref<128xi32, #tpu.memory_space<hbm>>) dst(%arg7 : memref<128xi32, #tpu.memory_space<vmem>>)
        tpu.yield
      }) : () -> ()
      %dma_start3A = arith.constant 0 : i32
      %dma_start3A_28 = arith.constant 0 : i32
      %dma_start3A_29 = tpu.memref_slice %arg2[%dma_start3A, %dma_start3A_28] : memref<10000x128xf32, #tpu.memory_space<hbm>> -> memref<10000x128xf32, #tpu.memory_space<hbm>>
      tpu.enqueue_indirect_dma source(%dma_start3A_29 : memref<10000x128xf32, #tpu.memory_space<hbm>>) target(%arg8 : memref<128x128xf32, #tpu.memory_space<vmem>>) offsets(%arg6 : memref<128xi32, #tpu.memory_space<vmem>>) semaphore(%arg11 : memref<!tpu.dma_semaphore, #tpu.memory_space<semaphore_mem>>)
      %dma_wait3A = arith.constant 0 : i32
      %dma_wait3A_30 = arith.constant 0 : i32
      %dma_wait3A_31 = tpu.memref_slice %arg2[%dma_wait3A, %dma_wait3A_30] : memref<10000x128xf32, #tpu.memory_space<hbm>> -> memref<10000x128xf32, #tpu.memory_space<hbm>>
      tpu.wait_indirect_dma semaphore(%arg11 : memref<!tpu.dma_semaphore, #tpu.memory_space<semaphore_mem>>) src(%dma_wait3A_31 : memref<10000x128xf32, #tpu.memory_space<hbm>>) dst(%arg8 : memref<128x128xf32, #tpu.memory_space<vmem>>)
      "tpu.region"() ({
        %run_scoped3A = tpu.sem_alloc : memref<!tpu.dma_semaphore, #tpu.memory_space<semaphore_mem>>
        %dma_start3A_32 = arith.constant 0 : i32
        %dma_start3A_33 = arith.constant 0 : i32
        %dma_start3A_34 = tpu.memref_slice %arg10[%dma_start3A_32, %dma_start3A_33] : memref<10240x128xf32, #tpu.memory_space<vmem_shared>> -> memref<10240x128xf32, #tpu.memory_space<vmem_shared>>
        tpu.enqueue_indirect_dma source(%arg8 : memref<128x128xf32, #tpu.memory_space<vmem>>) target(%dma_start3A_34 : memref<10240x128xf32, #tpu.memory_space<vmem_shared>>) offsets(%arg7 : memref<128xi32, #tpu.memory_space<vmem>>) semaphore(%run_scoped3A : memref<!tpu.dma_semaphore, #tpu.memory_space<semaphore_mem>>) {add = true}
        %dma_wait3A_35 = arith.constant 0 : i32
        %dma_wait3A_36 = arith.constant 0 : i32
        %dma_wait3A_37 = tpu.memref_slice %arg10[%dma_wait3A_35, %dma_wait3A_36] : memref<10240x128xf32, #tpu.memory_space<vmem_shared>> -> memref<10240x128xf32, #tpu.memory_space<vmem_shared>>
        tpu.wait_indirect_dma semaphore(%run_scoped3A : memref<!tpu.dma_semaphore, #tpu.memory_space<semaphore_mem>>) src(%arg8 : memref<128x128xf32, #tpu.memory_space<vmem>>) dst(%dma_wait3A_37 : memref<10240x128xf32, #tpu.memory_space<vmem_shared>>)
        tpu.yield
      }) : () -> ()
    }
    %scan3A_16 = arith.constant 79 : i32
    %barrier3A_17 = arith.constant 0 : index
    tpu.barrier barrier_id(%barrier3A_17)
    %lt3A = arith.constant 15 : i32
    %lt3A_18 = arith.cmpi slt, %arg1, %lt3A : i32
    %convert_element_type3A = arith.extui %lt3A_18 : i1 to i32
    %cond3A = arith.constant 0 : i32
    %cond3A_19 = arith.cmpi ne, %convert_element_type3A, %cond3A : i32
    scf.if %cond3A_19 {
      %mul3A_24 = arith.constant 632 : i32
      %mul3A_25 = arith.muli %arg1, %mul3A_24 : i32
      %mul3A_26 = arith.constant 632 : i32
      %mul3A_27 = arith.muli %arg1, %mul3A_26 : i32
      "tpu.region"() ({
        %run_scoped3A = tpu.sem_alloc : memref<!tpu.dma_semaphore, #tpu.memory_space<semaphore_mem>>
        %dma_start3A = arith.constant 0 : i32
        %dma_start3A_28 = tpu.memref_slice %arg5[%arg0, %mul3A_27, %dma_start3A] : memref<2x10000x128xf32, #tpu.memory_space<hbm>> -> memref<1x632x128xf32, #tpu.memory_space<hbm>>
        %dma_start3A_29 = tpu.memref_squeeze %dma_start3A_28 : memref<1x632x128xf32, #tpu.memory_space<hbm>> -> memref<632x128xf32, #tpu.memory_space<hbm>>
        %dma_start3A_30 = arith.constant 0 : i32
        %dma_start3A_31 = tpu.memref_slice %arg10[%mul3A_25, %dma_start3A_30] : memref<10240x128xf32, #tpu.memory_space<vmem_shared>> -> memref<632x128xf32, #tpu.memory_space<vmem_shared>>
        tpu.enqueue_dma source(%dma_start3A_31 : memref<632x128xf32, #tpu.memory_space<vmem_shared>>) target(%dma_start3A_29 : memref<632x128xf32, #tpu.memory_space<hbm>>) target_semaphore(%run_scoped3A : memref<!tpu.dma_semaphore, #tpu.memory_space<semaphore_mem>>)
        %dma_wait3A = arith.constant 0 : i32
        %dma_wait3A_32 = tpu.memref_slice %arg5[%arg0, %mul3A_27, %dma_wait3A] : memref<2x10000x128xf32, #tpu.memory_space<hbm>> -> memref<1x632x128xf32, #tpu.memory_space<hbm>>
        %dma_wait3A_33 = tpu.memref_squeeze %dma_wait3A_32 : memref<1x632x128xf32, #tpu.memory_space<hbm>> -> memref<632x128xf32, #tpu.memory_space<hbm>>
        %dma_wait3A_34 = arith.constant 0 : i32
        %dma_wait3A_35 = tpu.memref_slice %arg10[%mul3A_25, %dma_wait3A_34] : memref<10240x128xf32, #tpu.memory_space<vmem_shared>> -> memref<632x128xf32, #tpu.memory_space<vmem_shared>>
        tpu.wait_dma2 semaphore(%run_scoped3A : memref<!tpu.dma_semaphore, #tpu.memory_space<semaphore_mem>>) src(%dma_wait3A_35 : memref<632x128xf32, #tpu.memory_space<vmem_shared>>) dst(%dma_wait3A_33 : memref<632x128xf32, #tpu.memory_space<hbm>>)
        tpu.yield
      }) : () -> ()
    } else {
    }
    %eq3A = arith.constant 15 : i32
    %eq3A_20 = arith.cmpi eq, %arg1, %eq3A : i32
    %convert_element_type3A_21 = arith.extui %eq3A_20 : i1 to i32
    %cond3A_22 = arith.constant 0 : i32
    %cond3A_23 = arith.cmpi ne, %convert_element_type3A_21, %cond3A_22 : i32
    scf.if %cond3A_23 {
      "tpu.region"() ({
        %run_scoped3A = tpu.sem_alloc : memref<!tpu.dma_semaphore, #tpu.memory_space<semaphore_mem>>
        %dma_start3A = arith.constant 9480 : i32
        %dma_start3A_24 = arith.constant 0 : i32
        %dma_start3A_25 = tpu.memref_slice %arg5[%arg0, %dma_start3A, %dma_start3A_24] : memref<2x10000x128xf32, #tpu.memory_space<hbm>> -> memref<1x520x128xf32, #tpu.memory_space<hbm>>
        %dma_start3A_26 = tpu.memref_squeeze %dma_start3A_25 : memref<1x520x128xf32, #tpu.memory_space<hbm>> -> memref<520x128xf32, #tpu.memory_space<hbm>>
        %dma_start3A_27 = arith.constant 9480 : i32
        %dma_start3A_28 = arith.constant 0 : i32
        %dma_start3A_29 = tpu.memref_slice %arg10[%dma_start3A_27, %dma_start3A_28] : memref<10240x128xf32, #tpu.memory_space<vmem_shared>> -> memref<520x128xf32, #tpu.memory_space<vmem_shared>>
        tpu.enqueue_dma source(%dma_start3A_29 : memref<520x128xf32, #tpu.memory_space<vmem_shared>>) target(%dma_start3A_26 : memref<520x128xf32, #tpu.memory_space<hbm>>) target_semaphore(%run_scoped3A : memref<!tpu.dma_semaphore, #tpu.memory_space<semaphore_mem>>)
        %dma_wait3A = arith.constant 9480 : i32
        %dma_wait3A_30 = arith.constant 0 : i32
        %dma_wait3A_31 = tpu.memref_slice %arg5[%arg0, %dma_wait3A, %dma_wait3A_30] : memref<2x10000x128xf32, #tpu.memory_space<hbm>> -> memref<1x520x128xf32, #tpu.memory_space<hbm>>
        %dma_wait3A_32 = tpu.memref_squeeze %dma_wait3A_31 : memref<1x520x128xf32, #tpu.memory_space<hbm>> -> memref<520x128xf32, #tpu.memory_space<hbm>>
        %dma_wait3A_33 = arith.constant 9480 : i32
        %dma_wait3A_34 = arith.constant 0 : i32
        %dma_wait3A_35 = tpu.memref_slice %arg10[%dma_wait3A_33, %dma_wait3A_34] : memref<10240x128xf32, #tpu.memory_space<vmem_shared>> -> memref<520x128xf32, #tpu.memory_space<vmem_shared>>
        tpu.wait_dma2 semaphore(%run_scoped3A : memref<!tpu.dma_semaphore, #tpu.memory_space<semaphore_mem>>) src(%dma_wait3A_35 : memref<520x128xf32, #tpu.memory_space<vmem_shared>>) dst(%dma_wait3A_32 : memref<520x128xf32, #tpu.memory_space<hbm>>)
        tpu.yield
      }) : () -> ()
    } else {
    }
    return
  }
}

#map = affine_map<(d0, d1) -> (0)>
#map1 = affine_map<(d0, d1) -> (0, 0, 0)>
module attributes {stable_mosaic.version = 14 : i64} {
  func.func @_deg_body(%arg0: i32, %arg1: i32, %arg2: memref<323584xi32, #tpu.memory_space<hbm>>, %arg3: memref<2x10000x16xf32, #tpu.memory_space<hbm>>, %arg4: memref<128xi32, #tpu.memory_space<vmem>>, %arg5: memref<128x16xf32, #tpu.memory_space<vmem>>, %arg6: memref<64x16xf32, #tpu.memory_space<vmem>>, %arg7: memref<10240x16xf32, #tpu.memory_space<vmem_shared>>) attributes {dimension_semantics = [#tpu.dimension_semantics<core_parallel>, #tpu.dimension_semantics<subcore_parallel>], iteration_bounds = array<i64: 2, 16>, scalar_prefetch = 0 : i64, scratch_operands = 4 : i64, tpu.core_type = #tpu.core_type<sc_vector_subcore>, window_params = [{transform_indices = #map}, {transform_indices = #map1}]} {
    %mul3A = arith.constant 16 : i32
    %mul3A_0 = arith.muli %arg0, %mul3A : i32
    %add3A = arith.addi %mul3A_0, %arg1 : i32
    %scan3A = arith.constant 0 : i32
    %scan3A_1 = arith.constant 128 : i32
    %scan3A_2 = arith.addi %scan3A, %scan3A_1 : i32
    %scan3A_3 = arith.constant 1 : i32
    scf.for %scan3A_29 = %scan3A to %scan3A_2 step %scan3A_3  : i32 {
      %broadcast_in_dim3A = arith.constant 1.000000e+00 : f32
      %broadcast_in_dim3A_30 = vector.broadcast %broadcast_in_dim3A : f32 to vector<16xf32>
      %swap3A = arith.index_cast %scan3A_29 : i32 to index
      %swap3A_31 = arith.constant 0 : index
      %swap3A_32 = tpu.vector_load %arg5[%swap3A, %swap3A_31] {strides = array<i32>} : memref<128x16xf32, #tpu.memory_space<vmem>>, vector<1x16xf32>,
      %swap3A_33 = vector.shape_cast %swap3A_32 : vector<1x16xf32> to vector<16xf32>
      %swap3A_34 = vector.shape_cast %broadcast_in_dim3A_30 : vector<16xf32> to vector<1x16xf32>
      tpu.vector_store %arg5[%swap3A, %swap3A_31], %swap3A_34 {strides = array<i32>} : memref<128x16xf32, #tpu.memory_space<vmem>>, vector<1x16xf32>,
    }
    %scan3A_4 = arith.constant 128 : i32
    %scan3A_5 = arith.constant 0 : i32
    %scan3A_6 = arith.constant 64 : i32
    %scan3A_7 = arith.addi %scan3A_5, %scan3A_6 : i32
    %scan3A_8 = arith.constant 1 : i32
    scf.for %scan3A_29 = %scan3A_5 to %scan3A_7 step %scan3A_8  : i32 {
      %broadcast_in_dim3A = arith.constant 0.000000e+00 : f32
      %broadcast_in_dim3A_30 = vector.broadcast %broadcast_in_dim3A : f32 to vector<16xf32>
      %swap3A = arith.index_cast %scan3A_29 : i32 to index
      %swap3A_31 = arith.constant 0 : index
      %swap3A_32 = tpu.vector_load %arg6[%swap3A, %swap3A_31] {strides = array<i32>} : memref<64x16xf32, #tpu.memory_space<vmem>>, vector<1x16xf32>,
      %swap3A_33 = vector.shape_cast %swap3A_32 : vector<1x16xf32> to vector<16xf32>
      %swap3A_34 = vector.shape_cast %broadcast_in_dim3A_30 : vector<16xf32> to vector<1x16xf32>
      tpu.vector_store %arg6[%swap3A, %swap3A_31], %swap3A_34 {strides = array<i32>} : memref<64x16xf32, #tpu.memory_space<vmem>>, vector<1x16xf32>,
    }
    %scan3A_9 = arith.constant 64 : i32
    %scan3A_10 = arith.constant 0 : i32
    %scan3A_11 = arith.constant 10 : i32
    %scan3A_12 = arith.addi %scan3A_10, %scan3A_11 : i32
    %scan3A_13 = arith.constant 1 : i32
    scf.for %scan3A_29 = %scan3A_10 to %scan3A_12 step %scan3A_13  : i32 {
      %mul3A_30 = arith.constant 640 : i32
      %mul3A_31 = arith.muli %arg1, %mul3A_30 : i32
      %mul3A_32 = arith.constant 64 : i32
      %mul3A_33 = arith.muli %scan3A_29, %mul3A_32 : i32
      %add3A_34 = arith.addi %mul3A_31, %mul3A_33 : i32
      "tpu.region"() ({
        %run_scoped3A = tpu.sem_alloc : memref<!tpu.dma_semaphore, #tpu.memory_space<semaphore_mem>>
        %dma_start3A = arith.constant 0 : i32
        %dma_start3A_35 = tpu.memref_slice %arg7[%add3A_34, %dma_start3A] : memref<10240x16xf32, #tpu.memory_space<vmem_shared>> -> memref<64x16xf32, #tpu.memory_space<vmem_shared>>
        %dma_start3A_36 = arith.constant 0 : i32
        %dma_start3A_37 = tpu.memref_slice %arg7[%add3A_34, %dma_start3A_36] : memref<10240x16xf32, #tpu.memory_space<vmem_shared>> -> memref<64x16xf32, #tpu.memory_space<vmem_shared>>
        tpu.enqueue_dma source(%arg6 : memref<64x16xf32, #tpu.memory_space<vmem>>) target(%dma_start3A_37 : memref<64x16xf32, #tpu.memory_space<vmem_shared>>) target_semaphore(%run_scoped3A : memref<!tpu.dma_semaphore, #tpu.memory_space<semaphore_mem>>)
        %dma_wait3A = arith.constant 0 : i32
        %dma_wait3A_38 = tpu.memref_slice %arg7[%add3A_34, %dma_wait3A] : memref<10240x16xf32, #tpu.memory_space<vmem_shared>> -> memref<64x16xf32, #tpu.memory_space<vmem_shared>>
        %dma_wait3A_39 = arith.constant 0 : i32
        %dma_wait3A_40 = tpu.memref_slice %arg7[%add3A_34, %dma_wait3A_39] : memref<10240x16xf32, #tpu.memory_space<vmem_shared>> -> memref<64x16xf32, #tpu.memory_space<vmem_shared>>
        tpu.wait_dma2 semaphore(%run_scoped3A : memref<!tpu.dma_semaphore, #tpu.memory_space<semaphore_mem>>) src(%arg6 : memref<64x16xf32, #tpu.memory_space<vmem>>) dst(%dma_wait3A_40 : memref<64x16xf32, #tpu.memory_space<vmem_shared>>)
        tpu.yield
      }) : () -> ()
    }
    %scan3A_14 = arith.constant 10 : i32
    %barrier3A = arith.constant 0 : index
    tpu.barrier barrier_id(%barrier3A)
    %mul3A_15 = arith.constant 10112 : i32
    %mul3A_16 = arith.muli %add3A, %mul3A_15 : i32
    %scan3A_17 = arith.constant 0 : i32
    %scan3A_18 = arith.constant 79 : i32
    %scan3A_19 = arith.addi %scan3A_17, %scan3A_18 : i32
    %scan3A_20 = arith.constant 1 : i32
    scf.for %scan3A_29 = %scan3A_17 to %scan3A_19 step %scan3A_20  : i32 {
      %mul3A_30 = arith.constant 128 : i32
      %mul3A_31 = arith.muli %scan3A_29, %mul3A_30 : i32
      %add3A_32 = arith.addi %mul3A_16, %mul3A_31 : i32
      %multiple_of3A = tpu.assume_multiple %add3A_32, 8 : i32
      "tpu.region"() ({
        %run_scoped3A = tpu.sem_alloc : memref<!tpu.dma_semaphore, #tpu.memory_space<semaphore_mem>>
        %dma_start3A = tpu.memref_slice %arg2[%multiple_of3A] : memref<323584xi32, #tpu.memory_space<hbm>> -> memref<128xi32, #tpu.memory_space<hbm>>
        %dma_start3A_33 = tpu.memref_slice %arg2[%multiple_of3A] : memref<323584xi32, #tpu.memory_space<hbm>> -> memref<128xi32, #tpu.memory_space<hbm>>
        tpu.enqueue_dma source(%dma_start3A_33 : memref<128xi32, #tpu.memory_space<hbm>>) target(%arg4 : memref<128xi32, #tpu.memory_space<vmem>>) target_semaphore(%run_scoped3A : memref<!tpu.dma_semaphore, #tpu.memory_space<semaphore_mem>>)
        %dma_wait3A = tpu.memref_slice %arg2[%multiple_of3A] : memref<323584xi32, #tpu.memory_space<hbm>> -> memref<128xi32, #tpu.memory_space<hbm>>
        %dma_wait3A_34 = tpu.memref_slice %arg2[%multiple_of3A] : memref<323584xi32, #tpu.memory_space<hbm>> -> memref<128xi32, #tpu.memory_space<hbm>>
        tpu.wait_dma2 semaphore(%run_scoped3A : memref<!tpu.dma_semaphore, #tpu.memory_space<semaphore_mem>>) src(%dma_wait3A_34 : memref<128xi32, #tpu.memory_space<hbm>>) dst(%arg4 : memref<128xi32, #tpu.memory_space<vmem>>)
        tpu.yield
      }) : () -> ()
      "tpu.region"() ({
        %run_scoped3A = tpu.sem_alloc : memref<!tpu.dma_semaphore, #tpu.memory_space<semaphore_mem>>
        %dma_start3A = arith.constant 0 : i32
        %dma_start3A_33 = arith.constant 0 : i32
        %dma_start3A_34 = tpu.memref_slice %arg7[%dma_start3A, %dma_start3A_33] : memref<10240x16xf32, #tpu.memory_space<vmem_shared>> -> memref<10240x16xf32, #tpu.memory_space<vmem_shared>>
        tpu.enqueue_indirect_dma source(%arg5 : memref<128x16xf32, #tpu.memory_space<vmem>>) target(%dma_start3A_34 : memref<10240x16xf32, #tpu.memory_space<vmem_shared>>) offsets(%arg4 : memref<128xi32, #tpu.memory_space<vmem>>) semaphore(%run_scoped3A : memref<!tpu.dma_semaphore, #tpu.memory_space<semaphore_mem>>) {add = true}
        %dma_wait3A = arith.constant 0 : i32
        %dma_wait3A_35 = arith.constant 0 : i32
        %dma_wait3A_36 = tpu.memref_slice %arg7[%dma_wait3A, %dma_wait3A_35] : memref<10240x16xf32, #tpu.memory_space<vmem_shared>> -> memref<10240x16xf32, #tpu.memory_space<vmem_shared>>
        tpu.wait_indirect_dma semaphore(%run_scoped3A : memref<!tpu.dma_semaphore, #tpu.memory_space<semaphore_mem>>) src(%arg5 : memref<128x16xf32, #tpu.memory_space<vmem>>) dst(%dma_wait3A_36 : memref<10240x16xf32, #tpu.memory_space<vmem_shared>>)
        tpu.yield
      }) : () -> ()
    }
    %scan3A_21 = arith.constant 79 : i32
    %barrier3A_22 = arith.constant 0 : index
    tpu.barrier barrier_id(%barrier3A_22)
    %lt3A = arith.constant 15 : i32
    %lt3A_23 = arith.cmpi slt, %arg1, %lt3A : i32
    %convert_element_type3A = arith.extui %lt3A_23 : i1 to i32
    %cond3A = arith.constant 0 : i32
    %cond3A_24 = arith.cmpi ne, %convert_element_type3A, %cond3A : i32
    scf.if %cond3A_24 {
      %mul3A_29 = arith.constant 632 : i32
      %mul3A_30 = arith.muli %arg1, %mul3A_29 : i32
      %mul3A_31 = arith.constant 632 : i32
      %mul3A_32 = arith.muli %arg1, %mul3A_31 : i32
      "tpu.region"() ({
        %run_scoped3A = tpu.sem_alloc : memref<!tpu.dma_semaphore, #tpu.memory_space<semaphore_mem>>
        %dma_start3A = arith.constant 0 : i32
        %dma_start3A_33 = tpu.memref_slice %arg3[%arg0, %mul3A_32, %dma_start3A] : memref<2x10000x16xf32, #tpu.memory_space<hbm>> -> memref<1x632x16xf32, #tpu.memory_space<hbm>>
        %dma_start3A_34 = tpu.memref_squeeze %dma_start3A_33 : memref<1x632x16xf32, #tpu.memory_space<hbm>> -> memref<632x16xf32, #tpu.memory_space<hbm>>
        %dma_start3A_35 = arith.constant 0 : i32
        %dma_start3A_36 = tpu.memref_slice %arg7[%mul3A_30, %dma_start3A_35] : memref<10240x16xf32, #tpu.memory_space<vmem_shared>> -> memref<632x16xf32, #tpu.memory_space<vmem_shared>>
        tpu.enqueue_dma source(%dma_start3A_36 : memref<632x16xf32, #tpu.memory_space<vmem_shared>>) target(%dma_start3A_34 : memref<632x16xf32, #tpu.memory_space<hbm>>) target_semaphore(%run_scoped3A : memref<!tpu.dma_semaphore, #tpu.memory_space<semaphore_mem>>)
        %dma_wait3A = arith.constant 0 : i32
        %dma_wait3A_37 = tpu.memref_slice %arg3[%arg0, %mul3A_32, %dma_wait3A] : memref<2x10000x16xf32, #tpu.memory_space<hbm>> -> memref<1x632x16xf32, #tpu.memory_space<hbm>>
        %dma_wait3A_38 = tpu.memref_squeeze %dma_wait3A_37 : memref<1x632x16xf32, #tpu.memory_space<hbm>> -> memref<632x16xf32, #tpu.memory_space<hbm>>
        %dma_wait3A_39 = arith.constant 0 : i32
        %dma_wait3A_40 = tpu.memref_slice %arg7[%mul3A_30, %dma_wait3A_39] : memref<10240x16xf32, #tpu.memory_space<vmem_shared>> -> memref<632x16xf32, #tpu.memory_space<vmem_shared>>
        tpu.wait_dma2 semaphore(%run_scoped3A : memref<!tpu.dma_semaphore, #tpu.memory_space<semaphore_mem>>) src(%dma_wait3A_40 : memref<632x16xf32, #tpu.memory_space<vmem_shared>>) dst(%dma_wait3A_38 : memref<632x16xf32, #tpu.memory_space<hbm>>)
        tpu.yield
      }) : () -> ()
    } else {
    }
    %eq3A = arith.constant 15 : i32
    %eq3A_25 = arith.cmpi eq, %arg1, %eq3A : i32
    %convert_element_type3A_26 = arith.extui %eq3A_25 : i1 to i32
    %cond3A_27 = arith.constant 0 : i32
    %cond3A_28 = arith.cmpi ne, %convert_element_type3A_26, %cond3A_27 : i32
    scf.if %cond3A_28 {
      "tpu.region"() ({
        %run_scoped3A = tpu.sem_alloc : memref<!tpu.dma_semaphore, #tpu.memory_space<semaphore_mem>>
        %dma_start3A = arith.constant 9480 : i32
        %dma_start3A_29 = arith.constant 0 : i32
        %dma_start3A_30 = tpu.memref_slice %arg3[%arg0, %dma_start3A, %dma_start3A_29] : memref<2x10000x16xf32, #tpu.memory_space<hbm>> -> memref<1x520x16xf32, #tpu.memory_space<hbm>>
        %dma_start3A_31 = tpu.memref_squeeze %dma_start3A_30 : memref<1x520x16xf32, #tpu.memory_space<hbm>> -> memref<520x16xf32, #tpu.memory_space<hbm>>
        %dma_start3A_32 = arith.constant 9480 : i32
        %dma_start3A_33 = arith.constant 0 : i32
        %dma_start3A_34 = tpu.memref_slice %arg7[%dma_start3A_32, %dma_start3A_33] : memref<10240x16xf32, #tpu.memory_space<vmem_shared>> -> memref<520x16xf32, #tpu.memory_space<vmem_shared>>
        tpu.enqueue_dma source(%dma_start3A_34 : memref<520x16xf32, #tpu.memory_space<vmem_shared>>) target(%dma_start3A_31 : memref<520x16xf32, #tpu.memory_space<hbm>>) target_semaphore(%run_scoped3A : memref<!tpu.dma_semaphore, #tpu.memory_space<semaphore_mem>>)
        %dma_wait3A = arith.constant 9480 : i32
        %dma_wait3A_35 = arith.constant 0 : i32
        %dma_wait3A_36 = tpu.memref_slice %arg3[%arg0, %dma_wait3A, %dma_wait3A_35] : memref<2x10000x16xf32, #tpu.memory_space<hbm>> -> memref<1x520x16xf32, #tpu.memory_space<hbm>>
        %dma_wait3A_37 = tpu.memref_squeeze %dma_wait3A_36 : memref<1x520x16xf32, #tpu.memory_space<hbm>> -> memref<520x16xf32, #tpu.memory_space<hbm>>
        %dma_wait3A_38 = arith.constant 9480 : i32
        %dma_wait3A_39 = arith.constant 0 : i32
        %dma_wait3A_40 = tpu.memref_slice %arg7[%dma_wait3A_38, %dma_wait3A_39] : memref<10240x16xf32, #tpu.memory_space<vmem_shared>> -> memref<520x16xf32, #tpu.memory_space<vmem_shared>>
        tpu.wait_dma2 semaphore(%run_scoped3A : memref<!tpu.dma_semaphore, #tpu.memory_space<semaphore_mem>>) src(%dma_wait3A_40 : memref<520x16xf32, #tpu.memory_space<vmem_shared>>) dst(%dma_wait3A_37 : memref<520x16xf32, #tpu.memory_space<hbm>>)
        tpu.yield
      }) : () -> ()
    } else {
    }
    return
  }
}

#map = affine_map<(d0, d1) -> (0, 0)>
#map1 = affine_map<(d0, d1) -> (0)>
#map2 = affine_map<(d0, d1) -> (0, 0, 0)>
module attributes {stable_mosaic.version = 14 : i64} {
  func.func @_agg_body(%arg0: i32, %arg1: i32, %arg2: memref<10000x128xf32, #tpu.memory_space<hbm>>, %arg3: memref<323584xi32, #tpu.memory_space<hbm>>, %arg4: memref<323584xi32, #tpu.memory_space<hbm>>, %arg5: memref<2x10000x128xf32, #tpu.memory_space<hbm>>, %arg6: memref<128xi32, #tpu.memory_space<vmem>>, %arg7: memref<128xi32, #tpu.memory_space<vmem>>, %arg8: memref<128x128xf32, #tpu.memory_space<vmem>>, %arg9: memref<64x128xf32, #tpu.memory_space<vmem>>, %arg10: memref<10240x128xf32, #tpu.memory_space<vmem_shared>>, %arg11: memref<!tpu.dma_semaphore, #tpu.memory_space<semaphore_mem>>) attributes {dimension_semantics = [#tpu.dimension_semantics<core_parallel>, #tpu.dimension_semantics<subcore_parallel>], iteration_bounds = array<i64: 2, 16>, scalar_prefetch = 0 : i64, scratch_operands = 6 : i64, tpu.core_type = #tpu.core_type<sc_vector_subcore>, window_params = [{transform_indices = #map}, {transform_indices = #map1}, {transform_indices = #map1}, {transform_indices = #map2}]} {
    %mul3A = arith.constant 16 : i32
    %mul3A_0 = arith.muli %arg0, %mul3A : i32
    %add3A = arith.addi %mul3A_0, %arg1 : i32
    %scan3A = arith.constant 0 : i32
    %scan3A_1 = arith.constant 512 : i32
    %scan3A_2 = arith.addi %scan3A, %scan3A_1 : i32
    %scan3A_3 = arith.constant 1 : i32
    scf.for %scan3A_24 = %scan3A to %scan3A_2 step %scan3A_3  : i32 {
      %jit3A = arith.constant 8 : i32
      %div3A = arith.divsi %scan3A_24, %jit3A : i32
      %sign3A = arith.constant 0 : i32
      %sign3A_25 = arith.cmpi sgt, %scan3A_24, %sign3A : i32
      %sign3A_26 = arith.extui %sign3A_25 : i1 to i32
      %sign3A_27 = arith.constant 0 : i32
      %sign3A_28 = arith.cmpi slt, %scan3A_24, %sign3A_27 : i32
      %sign3A_29 = arith.extui %sign3A_28 : i1 to i32
      %sign3A_30 = arith.subi %sign3A_26, %sign3A_29 : i32
      %sign3A_31 = arith.constant 0 : i32
      %sign3A_32 = arith.cmpi sgt, %jit3A, %sign3A_31 : i32
      %sign3A_33 = arith.extui %sign3A_32 : i1 to i32
      %sign3A_34 = arith.constant 0 : i32
      %sign3A_35 = arith.cmpi slt, %jit3A, %sign3A_34 : i32
      %sign3A_36 = arith.extui %sign3A_35 : i1 to i32
      %sign3A_37 = arith.subi %sign3A_33, %sign3A_36 : i32
      %ne3A = arith.cmpi ne, %sign3A_30, %sign3A_37 : i32
      %rem3A = arith.remsi %scan3A_24, %jit3A : i32
      %ne3A_38 = arith.constant 0 : i32
      %ne3A_39 = arith.cmpi ne, %rem3A, %ne3A_38 : i32
      %and3A = arith.andi %ne3A, %ne3A_39 : i1
      %sub3A = arith.constant 1 : i32
      %sub3A_40 = arith.subi %div3A, %sub3A : i32
      %select_n3A = arith.select %and3A, %sub3A_40, %div3A : i32
      %jit3A_41 = arith.constant 8 : i32
      %eq3A_42 = arith.constant 0 : i32
      %eq3A_43 = arith.cmpi eq, %jit3A_41, %eq3A_42 : i32
      %jit3A_44 = arith.constant 1 : i32
      %select_n3A_45 = arith.select %eq3A_43, %jit3A_44, %jit3A_41 : i32
      %rem3A_46 = arith.remsi %scan3A_24, %select_n3A_45 : i32
      %ne3A_47 = arith.constant 0 : i32
      %ne3A_48 = arith.cmpi ne, %rem3A_46, %ne3A_47 : i32
      %lt3A_49 = arith.constant 0 : i32
      %lt3A_50 = arith.cmpi slt, %rem3A_46, %lt3A_49 : i32
      %lt3A_51 = arith.constant 0 : i32
      %lt3A_52 = arith.cmpi slt, %select_n3A_45, %lt3A_51 : i32
      %ne3A_53 = arith.xori %lt3A_50, %lt3A_52 : i1
      %and3A_54 = arith.andi %ne3A_53, %ne3A_48 : i1
      %add3A_55 = arith.addi %rem3A_46, %select_n3A_45 : i32
      %select_n3A_56 = arith.select %and3A_54, %add3A_55, %rem3A_46 : i32
      %broadcast_in_dim3A = arith.constant 0.000000e+00 : f32
      %broadcast_in_dim3A_57 = vector.broadcast %broadcast_in_dim3A : f32 to vector<16xf32>
      %mul3A_58 = arith.constant 16 : i32
      %mul3A_59 = arith.muli %select_n3A_56, %mul3A_58 : i32
      %swap3A = arith.index_cast %select_n3A : i32 to index
      %swap3A_60 = arith.index_cast %mul3A_59 : i32 to index
      %swap3A_61 = tpu.vector_load %arg9[%swap3A, %swap3A_60] {strides = array<i32>} : memref<64x128xf32, #tpu.memory_space<vmem>>, vector<1x16xf32>,
      %swap3A_62 = vector.shape_cast %swap3A_61 : vector<1x16xf32> to vector<16xf32>
      %swap3A_63 = vector.shape_cast %broadcast_in_dim3A_57 : vector<16xf32> to vector<1x16xf32>
      tpu.vector_store %arg9[%swap3A, %swap3A_60], %swap3A_63 {strides = array<i32>} : memref<64x128xf32, #tpu.memory_space<vmem>>, vector<1x16xf32>,
    }
    %scan3A_4 = arith.constant 512 : i32
    %scan3A_5 = arith.constant 0 : i32
    %scan3A_6 = arith.constant 10 : i32
    %scan3A_7 = arith.addi %scan3A_5, %scan3A_6 : i32
    %scan3A_8 = arith.constant 1 : i32
    scf.for %scan3A_24 = %scan3A_5 to %scan3A_7 step %scan3A_8  : i32 {
      %mul3A_25 = arith.constant 640 : i32
      %mul3A_26 = arith.muli %arg1, %mul3A_25 : i32
      %mul3A_27 = arith.constant 64 : i32
      %mul3A_28 = arith.muli %scan3A_24, %mul3A_27 : i32
      %add3A_29 = arith.addi %mul3A_26, %mul3A_28 : i32
      "tpu.region"() ({
        %run_scoped3A = tpu.sem_alloc : memref<!tpu.dma_semaphore, #tpu.memory_space<semaphore_mem>>
        %dma_start3A = arith.constant 0 : i32
        %dma_start3A_30 = tpu.memref_slice %arg10[%add3A_29, %dma_start3A] : memref<10240x128xf32, #tpu.memory_space<vmem_shared>> -> memref<64x128xf32, #tpu.memory_space<vmem_shared>>
        %dma_start3A_31 = arith.constant 0 : i32
        %dma_start3A_32 = tpu.memref_slice %arg10[%add3A_29, %dma_start3A_31] : memref<10240x128xf32, #tpu.memory_space<vmem_shared>> -> memref<64x128xf32, #tpu.memory_space<vmem_shared>>
        tpu.enqueue_dma source(%arg9 : memref<64x128xf32, #tpu.memory_space<vmem>>) target(%dma_start3A_32 : memref<64x128xf32, #tpu.memory_space<vmem_shared>>) target_semaphore(%run_scoped3A : memref<!tpu.dma_semaphore, #tpu.memory_space<semaphore_mem>>)
        %dma_wait3A = arith.constant 0 : i32
        %dma_wait3A_33 = tpu.memref_slice %arg10[%add3A_29, %dma_wait3A] : memref<10240x128xf32, #tpu.memory_space<vmem_shared>> -> memref<64x128xf32, #tpu.memory_space<vmem_shared>>
        %dma_wait3A_34 = arith.constant 0 : i32
        %dma_wait3A_35 = tpu.memref_slice %arg10[%add3A_29, %dma_wait3A_34] : memref<10240x128xf32, #tpu.memory_space<vmem_shared>> -> memref<64x128xf32, #tpu.memory_space<vmem_shared>>
        tpu.wait_dma2 semaphore(%run_scoped3A : memref<!tpu.dma_semaphore, #tpu.memory_space<semaphore_mem>>) src(%arg9 : memref<64x128xf32, #tpu.memory_space<vmem>>) dst(%dma_wait3A_35 : memref<64x128xf32, #tpu.memory_space<vmem_shared>>)
        tpu.yield
      }) : () -> ()
    }
    %scan3A_9 = arith.constant 10 : i32
    %barrier3A = arith.constant 0 : index
    tpu.barrier barrier_id(%barrier3A)
    %mul3A_10 = arith.constant 10112 : i32
    %mul3A_11 = arith.muli %add3A, %mul3A_10 : i32
    %scan3A_12 = arith.constant 0 : i32
    %scan3A_13 = arith.constant 79 : i32
    %scan3A_14 = arith.addi %scan3A_12, %scan3A_13 : i32
    %scan3A_15 = arith.constant 1 : i32
    scf.for %scan3A_24 = %scan3A_12 to %scan3A_14 step %scan3A_15  : i32 {
      %mul3A_25 = arith.constant 128 : i32
      %mul3A_26 = arith.muli %scan3A_24, %mul3A_25 : i32
      %add3A_27 = arith.addi %mul3A_11, %mul3A_26 : i32
      %multiple_of3A = tpu.assume_multiple %add3A_27, 8 : i32
      "tpu.region"() ({
        %run_scoped3A = tpu.sem_alloc : memref<!tpu.dma_semaphore, #tpu.memory_space<semaphore_mem>>
        %dma_start3A_32 = tpu.memref_slice %arg3[%multiple_of3A] : memref<323584xi32, #tpu.memory_space<hbm>> -> memref<128xi32, #tpu.memory_space<hbm>>
        %dma_start3A_33 = tpu.memref_slice %arg3[%multiple_of3A] : memref<323584xi32, #tpu.memory_space<hbm>> -> memref<128xi32, #tpu.memory_space<hbm>>
        tpu.enqueue_dma source(%dma_start3A_33 : memref<128xi32, #tpu.memory_space<hbm>>) target(%arg6 : memref<128xi32, #tpu.memory_space<vmem>>) target_semaphore(%run_scoped3A : memref<!tpu.dma_semaphore, #tpu.memory_space<semaphore_mem>>)
        %dma_wait3A_34 = tpu.memref_slice %arg3[%multiple_of3A] : memref<323584xi32, #tpu.memory_space<hbm>> -> memref<128xi32, #tpu.memory_space<hbm>>
        %dma_wait3A_35 = tpu.memref_slice %arg3[%multiple_of3A] : memref<323584xi32, #tpu.memory_space<hbm>> -> memref<128xi32, #tpu.memory_space<hbm>>
        tpu.wait_dma2 semaphore(%run_scoped3A : memref<!tpu.dma_semaphore, #tpu.memory_space<semaphore_mem>>) src(%dma_wait3A_35 : memref<128xi32, #tpu.memory_space<hbm>>) dst(%arg6 : memref<128xi32, #tpu.memory_space<vmem>>)
        tpu.yield
      }) : () -> ()
      "tpu.region"() ({
        %run_scoped3A = tpu.sem_alloc : memref<!tpu.dma_semaphore, #tpu.memory_space<semaphore_mem>>
        %dma_start3A_32 = tpu.memref_slice %arg4[%multiple_of3A] : memref<323584xi32, #tpu.memory_space<hbm>> -> memref<128xi32, #tpu.memory_space<hbm>>
        %dma_start3A_33 = tpu.memref_slice %arg4[%multiple_of3A] : memref<323584xi32, #tpu.memory_space<hbm>> -> memref<128xi32, #tpu.memory_space<hbm>>
        tpu.enqueue_dma source(%dma_start3A_33 : memref<128xi32, #tpu.memory_space<hbm>>) target(%arg7 : memref<128xi32, #tpu.memory_space<vmem>>) target_semaphore(%run_scoped3A : memref<!tpu.dma_semaphore, #tpu.memory_space<semaphore_mem>>)
        %dma_wait3A_34 = tpu.memref_slice %arg4[%multiple_of3A] : memref<323584xi32, #tpu.memory_space<hbm>> -> memref<128xi32, #tpu.memory_space<hbm>>
        %dma_wait3A_35 = tpu.memref_slice %arg4[%multiple_of3A] : memref<323584xi32, #tpu.memory_space<hbm>> -> memref<128xi32, #tpu.memory_space<hbm>>
        tpu.wait_dma2 semaphore(%run_scoped3A : memref<!tpu.dma_semaphore, #tpu.memory_space<semaphore_mem>>) src(%dma_wait3A_35 : memref<128xi32, #tpu.memory_space<hbm>>) dst(%arg7 : memref<128xi32, #tpu.memory_space<vmem>>)
        tpu.yield
      }) : () -> ()
      %dma_start3A = arith.constant 0 : i32
      %dma_start3A_28 = arith.constant 0 : i32
      %dma_start3A_29 = tpu.memref_slice %arg2[%dma_start3A, %dma_start3A_28] : memref<10000x128xf32, #tpu.memory_space<hbm>> -> memref<10000x128xf32, #tpu.memory_space<hbm>>
      tpu.enqueue_indirect_dma source(%dma_start3A_29 : memref<10000x128xf32, #tpu.memory_space<hbm>>) target(%arg8 : memref<128x128xf32, #tpu.memory_space<vmem>>) offsets(%arg6 : memref<128xi32, #tpu.memory_space<vmem>>) semaphore(%arg11 : memref<!tpu.dma_semaphore, #tpu.memory_space<semaphore_mem>>)
      %dma_wait3A = arith.constant 0 : i32
      %dma_wait3A_30 = arith.constant 0 : i32
      %dma_wait3A_31 = tpu.memref_slice %arg2[%dma_wait3A, %dma_wait3A_30] : memref<10000x128xf32, #tpu.memory_space<hbm>> -> memref<10000x128xf32, #tpu.memory_space<hbm>>
      tpu.wait_indirect_dma semaphore(%arg11 : memref<!tpu.dma_semaphore, #tpu.memory_space<semaphore_mem>>) src(%dma_wait3A_31 : memref<10000x128xf32, #tpu.memory_space<hbm>>) dst(%arg8 : memref<128x128xf32, #tpu.memory_space<vmem>>)
      "tpu.region"() ({
        %run_scoped3A = tpu.sem_alloc : memref<!tpu.dma_semaphore, #tpu.memory_space<semaphore_mem>>
        %dma_start3A_32 = arith.constant 0 : i32
        %dma_start3A_33 = arith.constant 0 : i32
        %dma_start3A_34 = tpu.memref_slice %arg10[%dma_start3A_32, %dma_start3A_33] : memref<10240x128xf32, #tpu.memory_space<vmem_shared>> -> memref<10240x128xf32, #tpu.memory_space<vmem_shared>>
        tpu.enqueue_indirect_dma source(%arg8 : memref<128x128xf32, #tpu.memory_space<vmem>>) target(%dma_start3A_34 : memref<10240x128xf32, #tpu.memory_space<vmem_shared>>) offsets(%arg7 : memref<128xi32, #tpu.memory_space<vmem>>) semaphore(%run_scoped3A : memref<!tpu.dma_semaphore, #tpu.memory_space<semaphore_mem>>) {add = true}
        %dma_wait3A_35 = arith.constant 0 : i32
        %dma_wait3A_36 = arith.constant 0 : i32
        %dma_wait3A_37 = tpu.memref_slice %arg10[%dma_wait3A_35, %dma_wait3A_36] : memref<10240x128xf32, #tpu.memory_space<vmem_shared>> -> memref<10240x128xf32, #tpu.memory_space<vmem_shared>>
        tpu.wait_indirect_dma semaphore(%run_scoped3A : memref<!tpu.dma_semaphore, #tpu.memory_space<semaphore_mem>>) src(%arg8 : memref<128x128xf32, #tpu.memory_space<vmem>>) dst(%dma_wait3A_37 : memref<10240x128xf32, #tpu.memory_space<vmem_shared>>)
        tpu.yield
      }) : () -> ()
    }
    %scan3A_16 = arith.constant 79 : i32
    %barrier3A_17 = arith.constant 0 : index
    tpu.barrier barrier_id(%barrier3A_17)
    %lt3A = arith.constant 15 : i32
    %lt3A_18 = arith.cmpi slt, %arg1, %lt3A : i32
    %convert_element_type3A = arith.extui %lt3A_18 : i1 to i32
    %cond3A = arith.constant 0 : i32
    %cond3A_19 = arith.cmpi ne, %convert_element_type3A, %cond3A : i32
    scf.if %cond3A_19 {
      %mul3A_24 = arith.constant 632 : i32
      %mul3A_25 = arith.muli %arg1, %mul3A_24 : i32
      %mul3A_26 = arith.constant 632 : i32
      %mul3A_27 = arith.muli %arg1, %mul3A_26 : i32
      "tpu.region"() ({
        %run_scoped3A = tpu.sem_alloc : memref<!tpu.dma_semaphore, #tpu.memory_space<semaphore_mem>>
        %dma_start3A = arith.constant 0 : i32
        %dma_start3A_28 = tpu.memref_slice %arg5[%arg0, %mul3A_27, %dma_start3A] : memref<2x10000x128xf32, #tpu.memory_space<hbm>> -> memref<1x632x128xf32, #tpu.memory_space<hbm>>
        %dma_start3A_29 = tpu.memref_squeeze %dma_start3A_28 : memref<1x632x128xf32, #tpu.memory_space<hbm>> -> memref<632x128xf32, #tpu.memory_space<hbm>>
        %dma_start3A_30 = arith.constant 0 : i32
        %dma_start3A_31 = tpu.memref_slice %arg10[%mul3A_25, %dma_start3A_30] : memref<10240x128xf32, #tpu.memory_space<vmem_shared>> -> memref<632x128xf32, #tpu.memory_space<vmem_shared>>
        tpu.enqueue_dma source(%dma_start3A_31 : memref<632x128xf32, #tpu.memory_space<vmem_shared>>) target(%dma_start3A_29 : memref<632x128xf32, #tpu.memory_space<hbm>>) target_semaphore(%run_scoped3A : memref<!tpu.dma_semaphore, #tpu.memory_space<semaphore_mem>>)
        %dma_wait3A = arith.constant 0 : i32
        %dma_wait3A_32 = tpu.memref_slice %arg5[%arg0, %mul3A_27, %dma_wait3A] : memref<2x10000x128xf32, #tpu.memory_space<hbm>> -> memref<1x632x128xf32, #tpu.memory_space<hbm>>
        %dma_wait3A_33 = tpu.memref_squeeze %dma_wait3A_32 : memref<1x632x128xf32, #tpu.memory_space<hbm>> -> memref<632x128xf32, #tpu.memory_space<hbm>>
        %dma_wait3A_34 = arith.constant 0 : i32
        %dma_wait3A_35 = tpu.memref_slice %arg10[%mul3A_25, %dma_wait3A_34] : memref<10240x128xf32, #tpu.memory_space<vmem_shared>> -> memref<632x128xf32, #tpu.memory_space<vmem_shared>>
        tpu.wait_dma2 semaphore(%run_scoped3A : memref<!tpu.dma_semaphore, #tpu.memory_space<semaphore_mem>>) src(%dma_wait3A_35 : memref<632x128xf32, #tpu.memory_space<vmem_shared>>) dst(%dma_wait3A_33 : memref<632x128xf32, #tpu.memory_space<hbm>>)
        tpu.yield
      }) : () -> ()
    } else {
    }
    %eq3A = arith.constant 15 : i32
    %eq3A_20 = arith.cmpi eq, %arg1, %eq3A : i32
    %convert_element_type3A_21 = arith.extui %eq3A_20 : i1 to i32
    %cond3A_22 = arith.constant 0 : i32
    %cond3A_23 = arith.cmpi ne, %convert_element_type3A_21, %cond3A_22 : i32
    scf.if %cond3A_23 {
      "tpu.region"() ({
        %run_scoped3A = tpu.sem_alloc : memref<!tpu.dma_semaphore, #tpu.memory_space<semaphore_mem>>
        %dma_start3A = arith.constant 9480 : i32
        %dma_start3A_24 = arith.constant 0 : i32
        %dma_start3A_25 = tpu.memref_slice %arg5[%arg0, %dma_start3A, %dma_start3A_24] : memref<2x10000x128xf32, #tpu.memory_space<hbm>> -> memref<1x520x128xf32, #tpu.memory_space<hbm>>
        %dma_start3A_26 = tpu.memref_squeeze %dma_start3A_25 : memref<1x520x128xf32, #tpu.memory_space<hbm>> -> memref<520x128xf32, #tpu.memory_space<hbm>>
        %dma_start3A_27 = arith.constant 9480 : i32
        %dma_start3A_28 = arith.constant 0 : i32
        %dma_start3A_29 = tpu.memref_slice %arg10[%dma_start3A_27, %dma_start3A_28] : memref<10240x128xf32, #tpu.memory_space<vmem_shared>> -> memref<520x128xf32, #tpu.memory_space<vmem_shared>>
        tpu.enqueue_dma source(%dma_start3A_29 : memref<520x128xf32, #tpu.memory_space<vmem_shared>>) target(%dma_start3A_26 : memref<520x128xf32, #tpu.memory_space<hbm>>) target_semaphore(%run_scoped3A : memref<!tpu.dma_semaphore, #tpu.memory_space<semaphore_mem>>)
        %dma_wait3A = arith.constant 9480 : i32
        %dma_wait3A_30 = arith.constant 0 : i32
        %dma_wait3A_31 = tpu.memref_slice %arg5[%arg0, %dma_wait3A, %dma_wait3A_30] : memref<2x10000x128xf32, #tpu.memory_space<hbm>> -> memref<1x520x128xf32, #tpu.memory_space<hbm>>
        %dma_wait3A_32 = tpu.memref_squeeze %dma_wait3A_31 : memref<1x520x128xf32, #tpu.memory_space<hbm>> -> memref<520x128xf32, #tpu.memory_space<hbm>>
        %dma_wait3A_33 = arith.constant 9480 : i32
        %dma_wait3A_34 = arith.constant 0 : i32
        %dma_wait3A_35 = tpu.memref_slice %arg10[%dma_wait3A_33, %dma_wait3A_34] : memref<10240x128xf32, #tpu.memory_space<vmem_shared>> -> memref<520x128xf32, #tpu.memory_space<vmem_shared>>
        tpu.wait_dma2 semaphore(%run_scoped3A : memref<!tpu.dma_semaphore, #tpu.memory_space<semaphore_mem>>) src(%dma_wait3A_35 : memref<520x128xf32, #tpu.memory_space<vmem_shared>>) dst(%dma_wait3A_32 : memref<520x128xf32, #tpu.memory_space<hbm>>)
        tpu.yield
      }) : () -> ()
    } else {
    }
    return
  }
}

module attributes {stable_mosaic.version = 14 : i64} {
  func.func @_tc1_body(%arg0: i32, %arg1: memref<2x1000x16xf32, #tpu.memory_space<vmem>>, %arg2: memref<1000x128xf32, #tpu.memory_space<vmem>>, %arg3: memref<128x128xf32, #tpu.memory_space<vmem>>, %arg4: memref<1000x128xf32, #tpu.memory_space<vmem>>) attributes {dimension_semantics = [#tpu.dimension_semantics<arbitrary>], iteration_bounds = array<i64: 10>, scalar_prefetch = 0 : i64, scratch_operands = 0 : i64, tpu.core_type = #tpu.core_type<tc>, window_params = [{transform_indices = @transform_0, window_bounds = array<i64: 2, 1000, 16>}, {transform_indices = @transform_1, window_bounds = array<i64: 1000, 128>}, {pipeline_mode = #tpu.pipeline_mode<synchronous>, transform_indices = @transform_2, window_bounds = array<i64: 128, 128>}, {transform_indices = @transform_3, window_bounds = array<i64: 1000, 128>}]} {
    %get3A = arith.constant 0 : index
    %get3A_0 = arith.constant 0 : index
    %get3A_1 = arith.constant 0 : index
    %get3A_2 = vector.load %arg1[%get3A, %get3A_0, %get3A_1] : memref<2x1000x16xf32, #tpu.memory_space<vmem>>, vector<1x1000x16xf32>
    %get3A_3 = vector.shape_cast %get3A_2 : vector<1x1000x16xf32> to vector<1000x16xf32>
    %get3A_4 = arith.constant 1 : index
    %get3A_5 = arith.constant 0 : index
    %get3A_6 = arith.constant 0 : index
    %get3A_7 = vector.load %arg1[%get3A_4, %get3A_5, %get3A_6] : memref<2x1000x16xf32, #tpu.memory_space<vmem>>, vector<1x1000x16xf32>
    %get3A_8 = vector.shape_cast %get3A_7 : vector<1x1000x16xf32> to vector<1000x16xf32>
    %add3A = arith.addf %get3A_3, %get3A_8 : vector<1000x16xf32>
    %slice3A = vector.extract_strided_slice %add3A {offsets = [0, 0], sizes = [1000, 1], strides = [1, 1]} : vector<1000x16xf32> to vector<1000x1xf32>
    %add3A_9 = arith.constant 1.000000e+00 : f32
    %add3A_10 = vector.broadcast %add3A_9 : f32 to vector<1000x1xf32>
    %add3A_11 = arith.addf %slice3A, %add3A_10 : vector<1000x1xf32>
    %rsqrt3A = math.rsqrt %add3A_11 : vector<1000x1xf32>
    %get3A_12 = arith.constant 0 : index
    %get3A_13 = arith.constant 0 : index
    %get3A_14 = vector.load %arg2[%get3A_12, %get3A_13] : memref<1000x128xf32, #tpu.memory_space<vmem>>, vector<1000x128xf32>
    %get3A_15 = arith.constant 0 : index
    %get3A_16 = arith.constant 0 : index
    %get3A_17 = vector.load %arg3[%get3A_15, %get3A_16] : memref<128x128xf32, #tpu.memory_space<vmem>>, vector<128x128xf32>
    %dot_general3A = arith.constant dense<0.000000e+00> : vector<1000x128xf32>
    %dot_general3A_18 = tpu.matmul %get3A_14, %get3A_17, %dot_general3A {dimension_numbers = #tpu.dot_dimension_numbers<[1], [0], [0], [1], [0, 0, 1, 1], [], []>, transpose_lhs_hint = false} : vector<1000x128xf32>, vector<128x128xf32>, vector<1000x128xf32> -> vector<1000x128xf32>
    %mul3A = vector.broadcast %rsqrt3A : vector<1000x1xf32> to vector<1000x128xf32>
    %mul3A_19 = arith.mulf %dot_general3A_18, %mul3A : vector<1000x128xf32>
    %swap3A = arith.constant 0 : index
    %swap3A_20 = arith.constant 0 : index
    %swap3A_21 = vector.load %arg4[%swap3A, %swap3A_20] : memref<1000x128xf32, #tpu.memory_space<vmem>>, vector<1000x128xf32>
    tpu.vector_store %arg4[%swap3A, %swap3A_20], %mul3A_19 {strides = array<i32>} : memref<1000x128xf32, #tpu.memory_space<vmem>>, vector<1000x128xf32>,
    return
  }
  func.func @transform_0(%arg0: i32) -> (i32, i32, i32) {
    %c0_i32 = arith.constant 0 : i32
    %c0_i32_0 = arith.constant 0 : i32
    %c0_i32_1 = arith.constant 0 : i32
    return %c0_i32, %arg0, %c0_i32_0 : i32, i32, i32
  }
  func.func @transform_1(%arg0: i32) -> (i32, i32) {
    %c0_i32 = arith.constant 0 : i32
    %c0_i32_0 = arith.constant 0 : i32
    return %arg0, %c0_i32 : i32, i32
  }
  func.func @transform_2(%arg0: i32) -> (i32, i32) {
    %c0_i32 = arith.constant 0 : i32
    %c0_i32_0 = arith.constant 0 : i32
    %c0_i32_1 = arith.constant 0 : i32
    return %c0_i32, %c0_i32_0 : i32, i32
  }
  func.func @transform_3(%arg0: i32) -> (i32, i32) {
    %c0_i32 = arith.constant 0 : i32
    %c0_i32_0 = arith.constant 0 : i32
    return %arg0, %c0_i32 : i32, i32
  }
}

module attributes {stable_mosaic.version = 14 : i64} {
  func.func @_tc2_body(%arg0: i32, %arg1: memref<2x1000x16xf32, #tpu.memory_space<vmem>>, %arg2: memref<2x1000x128xf32, #tpu.memory_space<vmem>>, %arg3: memref<1000x128xf32, #tpu.memory_space<vmem>>, %arg4: memref<1x128xf32, #tpu.memory_space<vmem>>, %arg5: memref<128x128xf32, #tpu.memory_space<vmem>>, %arg6: memref<1000x128xf32, #tpu.memory_space<vmem>>) attributes {dimension_semantics = [#tpu.dimension_semantics<arbitrary>], iteration_bounds = array<i64: 10>, scalar_prefetch = 0 : i64, scratch_operands = 0 : i64, tpu.core_type = #tpu.core_type<tc>, window_params = [{transform_indices = @transform_0, window_bounds = array<i64: 2, 1000, 16>}, {transform_indices = @transform_1, window_bounds = array<i64: 2, 1000, 128>}, {transform_indices = @transform_2, window_bounds = array<i64: 1000, 128>}, {pipeline_mode = #tpu.pipeline_mode<synchronous>, transform_indices = @transform_3, window_bounds = array<i64: 1, 128>}, {pipeline_mode = #tpu.pipeline_mode<synchronous>, transform_indices = @transform_4, window_bounds = array<i64: 128, 128>}, {transform_indices = @transform_5, window_bounds = array<i64: 1000, 128>}]} {
    %get3A = arith.constant 0 : index
    %get3A_0 = arith.constant 0 : index
    %get3A_1 = arith.constant 0 : index
    %get3A_2 = vector.load %arg1[%get3A, %get3A_0, %get3A_1] : memref<2x1000x16xf32, #tpu.memory_space<vmem>>, vector<1x1000x16xf32>
    %get3A_3 = vector.shape_cast %get3A_2 : vector<1x1000x16xf32> to vector<1000x16xf32>
    %get3A_4 = arith.constant 1 : index
    %get3A_5 = arith.constant 0 : index
    %get3A_6 = arith.constant 0 : index
    %get3A_7 = vector.load %arg1[%get3A_4, %get3A_5, %get3A_6] : memref<2x1000x16xf32, #tpu.memory_space<vmem>>, vector<1x1000x16xf32>
    %get3A_8 = vector.shape_cast %get3A_7 : vector<1x1000x16xf32> to vector<1000x16xf32>
    %add3A = arith.addf %get3A_3, %get3A_8 : vector<1000x16xf32>
    %slice3A = vector.extract_strided_slice %add3A {offsets = [0, 0], sizes = [1000, 1], strides = [1, 1]} : vector<1000x16xf32> to vector<1000x1xf32>
    %add3A_9 = arith.constant 1.000000e+00 : f32
    %add3A_10 = vector.broadcast %add3A_9 : f32 to vector<1000x1xf32>
    %add3A_11 = arith.addf %slice3A, %add3A_10 : vector<1000x1xf32>
    %rsqrt3A = math.rsqrt %add3A_11 : vector<1000x1xf32>
    %get3A_12 = arith.constant 0 : index
    %get3A_13 = arith.constant 0 : index
    %get3A_14 = arith.constant 0 : index
    %get3A_15 = vector.load %arg2[%get3A_12, %get3A_13, %get3A_14] : memref<2x1000x128xf32, #tpu.memory_space<vmem>>, vector<1x1000x128xf32>
    %get3A_16 = vector.shape_cast %get3A_15 : vector<1x1000x128xf32> to vector<1000x128xf32>
    %get3A_17 = arith.constant 1 : index
    %get3A_18 = arith.constant 0 : index
    %get3A_19 = arith.constant 0 : index
    %get3A_20 = vector.load %arg2[%get3A_17, %get3A_18, %get3A_19] : memref<2x1000x128xf32, #tpu.memory_space<vmem>>, vector<1x1000x128xf32>
    %get3A_21 = vector.shape_cast %get3A_20 : vector<1x1000x128xf32> to vector<1000x128xf32>
    %add3A_22 = arith.addf %get3A_16, %get3A_21 : vector<1000x128xf32>
    %get3A_23 = arith.constant 0 : index
    %get3A_24 = arith.constant 0 : index
    %get3A_25 = vector.load %arg3[%get3A_23, %get3A_24] : memref<1000x128xf32, #tpu.memory_space<vmem>>, vector<1000x128xf32>
    %add3A_26 = arith.addf %add3A_22, %get3A_25 : vector<1000x128xf32>
    %mul3A = vector.broadcast %rsqrt3A : vector<1000x1xf32> to vector<1000x128xf32>
    %mul3A_27 = arith.mulf %add3A_26, %mul3A : vector<1000x128xf32>
    %get3A_28 = arith.constant 0 : index
    %get3A_29 = arith.constant 0 : index
    %get3A_30 = vector.load %arg4[%get3A_28, %get3A_29] : memref<1x128xf32, #tpu.memory_space<vmem>>, vector<1x128xf32>
    %add3A_31 = vector.broadcast %get3A_30 : vector<1x128xf32> to vector<1000x128xf32>
    %add3A_32 = arith.addf %mul3A_27, %add3A_31 : vector<1000x128xf32>
    %max3A = arith.constant 0.000000e+00 : f32
    %max3A_33 = vector.broadcast %max3A : f32 to vector<1000x128xf32>
    %max3A_34 = arith.maximumf %add3A_32, %max3A_33 : vector<1000x128xf32>
    %get3A_35 = arith.constant 0 : index
    %get3A_36 = arith.constant 0 : index
    %get3A_37 = vector.load %arg5[%get3A_35, %get3A_36] : memref<128x128xf32, #tpu.memory_space<vmem>>, vector<128x128xf32>
    %dot_general3A = arith.constant dense<0.000000e+00> : vector<1000x128xf32>
    %dot_general3A_38 = tpu.matmul %max3A_34, %get3A_37, %dot_general3A {dimension_numbers = #tpu.dot_dimension_numbers<[1], [0], [0], [1], [0, 0, 1, 1], [], []>, transpose_lhs_hint = false} : vector<1000x128xf32>, vector<128x128xf32>, vector<1000x128xf32> -> vector<1000x128xf32>
    %mul3A_39 = vector.broadcast %rsqrt3A : vector<1000x1xf32> to vector<1000x128xf32>
    %mul3A_40 = arith.mulf %dot_general3A_38, %mul3A_39 : vector<1000x128xf32>
    %swap3A = arith.constant 0 : index
    %swap3A_41 = arith.constant 0 : index
    %swap3A_42 = vector.load %arg6[%swap3A, %swap3A_41] : memref<1000x128xf32, #tpu.memory_space<vmem>>, vector<1000x128xf32>
    tpu.vector_store %arg6[%swap3A, %swap3A_41], %mul3A_40 {strides = array<i32>} : memref<1000x128xf32, #tpu.memory_space<vmem>>, vector<1000x128xf32>,
    return
  }
  func.func @transform_0(%arg0: i32) -> (i32, i32, i32) {
    %c0_i32 = arith.constant 0 : i32
    %c0_i32_0 = arith.constant 0 : i32
    %c0_i32_1 = arith.constant 0 : i32
    return %c0_i32, %arg0, %c0_i32_0 : i32, i32, i32
  }
  func.func @transform_1(%arg0: i32) -> (i32, i32, i32) {
    %c0_i32 = arith.constant 0 : i32
    %c0_i32_0 = arith.constant 0 : i32
    %c0_i32_1 = arith.constant 0 : i32
    return %c0_i32, %arg0, %c0_i32_0 : i32, i32, i32
  }
  func.func @transform_2(%arg0: i32) -> (i32, i32) {
    %c0_i32 = arith.constant 0 : i32
    %c0_i32_0 = arith.constant 0 : i32
    return %arg0, %c0_i32 : i32, i32
  }
  func.func @transform_3(%arg0: i32) -> (i32, i32) {
    %c0_i32 = arith.constant 0 : i32
    %c0_i32_0 = arith.constant 0 : i32
    %c0_i32_1 = arith.constant 0 : i32
    return %c0_i32, %c0_i32_0 : i32, i32
  }
  func.func @transform_4(%arg0: i32) -> (i32, i32) {
    %c0_i32 = arith.constant 0 : i32
    %c0_i32_0 = arith.constant 0 : i32
    %c0_i32_1 = arith.constant 0 : i32
    return %c0_i32, %c0_i32_0 : i32, i32
  }
  func.func @transform_5(%arg0: i32) -> (i32, i32) {
    %c0_i32 = arith.constant 0 : i32
    %c0_i32_0 = arith.constant 0 : i32
    return %arg0, %c0_i32 : i32, i32
  }
}

module attributes {stable_mosaic.version = 14 : i64} {
  func.func @_tc3_body(%arg0: i32, %arg1: memref<2x1000x16xf32, #tpu.memory_space<vmem>>, %arg2: memref<2x1000x128xf32, #tpu.memory_space<vmem>>, %arg3: memref<1000x128xf32, #tpu.memory_space<vmem>>, %arg4: memref<1x128xf32, #tpu.memory_space<vmem>>, %arg5: memref<128x64xf32, #tpu.memory_space<vmem>>, %arg6: memref<1x64xf32, #tpu.memory_space<vmem>>, %arg7: memref<64x128xf32, #tpu.memory_space<vmem>>, %arg8: memref<1x128xf32, #tpu.memory_space<vmem>>, %arg9: memref<1000x128xf32, #tpu.memory_space<vmem>>) attributes {dimension_semantics = [#tpu.dimension_semantics<arbitrary>], iteration_bounds = array<i64: 10>, scalar_prefetch = 0 : i64, scratch_operands = 0 : i64, tpu.core_type = #tpu.core_type<tc>, window_params = [{transform_indices = @transform_0, window_bounds = array<i64: 2, 1000, 16>}, {transform_indices = @transform_1, window_bounds = array<i64: 2, 1000, 128>}, {transform_indices = @transform_2, window_bounds = array<i64: 1000, 128>}, {pipeline_mode = #tpu.pipeline_mode<synchronous>, transform_indices = @transform_3, window_bounds = array<i64: 1, 128>}, {pipeline_mode = #tpu.pipeline_mode<synchronous>, transform_indices = @transform_4, window_bounds = array<i64: 128, 64>}, {pipeline_mode = #tpu.pipeline_mode<synchronous>, transform_indices = @transform_5, window_bounds = array<i64: 1, 64>}, {pipeline_mode = #tpu.pipeline_mode<synchronous>, transform_indices = @transform_6, window_bounds = array<i64: 64, 128>}, {pipeline_mode = #tpu.pipeline_mode<synchronous>, transform_indices = @transform_7, window_bounds = array<i64: 1, 128>}, {transform_indices = @transform_8, window_bounds = array<i64: 1000, 128>}]} {
    %get3A = arith.constant 0 : index
    %get3A_0 = arith.constant 0 : index
    %get3A_1 = arith.constant 0 : index
    %get3A_2 = vector.load %arg1[%get3A, %get3A_0, %get3A_1] : memref<2x1000x16xf32, #tpu.memory_space<vmem>>, vector<1x1000x16xf32>
    %get3A_3 = vector.shape_cast %get3A_2 : vector<1x1000x16xf32> to vector<1000x16xf32>
    %get3A_4 = arith.constant 1 : index
    %get3A_5 = arith.constant 0 : index
    %get3A_6 = arith.constant 0 : index
    %get3A_7 = vector.load %arg1[%get3A_4, %get3A_5, %get3A_6] : memref<2x1000x16xf32, #tpu.memory_space<vmem>>, vector<1x1000x16xf32>
    %get3A_8 = vector.shape_cast %get3A_7 : vector<1x1000x16xf32> to vector<1000x16xf32>
    %add3A = arith.addf %get3A_3, %get3A_8 : vector<1000x16xf32>
    %slice3A = vector.extract_strided_slice %add3A {offsets = [0, 0], sizes = [1000, 1], strides = [1, 1]} : vector<1000x16xf32> to vector<1000x1xf32>
    %add3A_9 = arith.constant 1.000000e+00 : f32
    %add3A_10 = vector.broadcast %add3A_9 : f32 to vector<1000x1xf32>
    %add3A_11 = arith.addf %slice3A, %add3A_10 : vector<1000x1xf32>
    %rsqrt3A = math.rsqrt %add3A_11 : vector<1000x1xf32>
    %get3A_12 = arith.constant 0 : index
    %get3A_13 = arith.constant 0 : index
    %get3A_14 = arith.constant 0 : index
    %get3A_15 = vector.load %arg2[%get3A_12, %get3A_13, %get3A_14] : memref<2x1000x128xf32, #tpu.memory_space<vmem>>, vector<1x1000x128xf32>
    %get3A_16 = vector.shape_cast %get3A_15 : vector<1x1000x128xf32> to vector<1000x128xf32>
    %get3A_17 = arith.constant 1 : index
    %get3A_18 = arith.constant 0 : index
    %get3A_19 = arith.constant 0 : index
    %get3A_20 = vector.load %arg2[%get3A_17, %get3A_18, %get3A_19] : memref<2x1000x128xf32, #tpu.memory_space<vmem>>, vector<1x1000x128xf32>
    %get3A_21 = vector.shape_cast %get3A_20 : vector<1x1000x128xf32> to vector<1000x128xf32>
    %add3A_22 = arith.addf %get3A_16, %get3A_21 : vector<1000x128xf32>
    %get3A_23 = arith.constant 0 : index
    %get3A_24 = arith.constant 0 : index
    %get3A_25 = vector.load %arg3[%get3A_23, %get3A_24] : memref<1000x128xf32, #tpu.memory_space<vmem>>, vector<1000x128xf32>
    %add3A_26 = arith.addf %add3A_22, %get3A_25 : vector<1000x128xf32>
    %mul3A = vector.broadcast %rsqrt3A : vector<1000x1xf32> to vector<1000x128xf32>
    %mul3A_27 = arith.mulf %add3A_26, %mul3A : vector<1000x128xf32>
    %get3A_28 = arith.constant 0 : index
    %get3A_29 = arith.constant 0 : index
    %get3A_30 = vector.load %arg4[%get3A_28, %get3A_29] : memref<1x128xf32, #tpu.memory_space<vmem>>, vector<1x128xf32>
    %add3A_31 = vector.broadcast %get3A_30 : vector<1x128xf32> to vector<1000x128xf32>
    %add3A_32 = arith.addf %mul3A_27, %add3A_31 : vector<1000x128xf32>
    %get3A_33 = arith.constant 0 : index
    %get3A_34 = arith.constant 0 : index
    %get3A_35 = vector.load %arg5[%get3A_33, %get3A_34] : memref<128x64xf32, #tpu.memory_space<vmem>>, vector<128x64xf32>
    %dot_general3A = arith.constant dense<0.000000e+00> : vector<1000x64xf32>
    %dot_general3A_36 = tpu.matmul %add3A_32, %get3A_35, %dot_general3A {dimension_numbers = #tpu.dot_dimension_numbers<[1], [0], [0], [1], [0, 0, 1, 1], [], []>, transpose_lhs_hint = false} : vector<1000x128xf32>, vector<128x64xf32>, vector<1000x64xf32> -> vector<1000x64xf32>
    %get3A_37 = arith.constant 0 : index
    %get3A_38 = arith.constant 0 : index
    %get3A_39 = vector.load %arg6[%get3A_37, %get3A_38] : memref<1x64xf32, #tpu.memory_space<vmem>>, vector<1x64xf32>
    %add3A_40 = vector.broadcast %get3A_39 : vector<1x64xf32> to vector<1000x64xf32>
    %add3A_41 = arith.addf %dot_general3A_36, %add3A_40 : vector<1000x64xf32>
    %max3A = arith.constant 0.000000e+00 : f32
    %max3A_42 = vector.broadcast %max3A : f32 to vector<1000x64xf32>
    %max3A_43 = arith.maximumf %add3A_41, %max3A_42 : vector<1000x64xf32>
    %get3A_44 = arith.constant 0 : index
    %get3A_45 = arith.constant 0 : index
    %get3A_46 = vector.load %arg7[%get3A_44, %get3A_45] : memref<64x128xf32, #tpu.memory_space<vmem>>, vector<64x128xf32>
    %dot_general3A_47 = arith.constant dense<0.000000e+00> : vector<1000x128xf32>
    %dot_general3A_48 = tpu.matmul %max3A_43, %get3A_46, %dot_general3A_47 {dimension_numbers = #tpu.dot_dimension_numbers<[1], [0], [0], [1], [0, 0, 1, 1], [], []>, transpose_lhs_hint = false} : vector<1000x64xf32>, vector<64x128xf32>, vector<1000x128xf32> -> vector<1000x128xf32>
    %get3A_49 = arith.constant 0 : index
    %get3A_50 = arith.constant 0 : index
    %get3A_51 = vector.load %arg8[%get3A_49, %get3A_50] : memref<1x128xf32, #tpu.memory_space<vmem>>, vector<1x128xf32>
    %add3A_52 = vector.broadcast %get3A_51 : vector<1x128xf32> to vector<1000x128xf32>
    %add3A_53 = arith.addf %dot_general3A_48, %add3A_52 : vector<1000x128xf32>
    %swap3A = arith.constant 0 : index
    %swap3A_54 = arith.constant 0 : index
    %swap3A_55 = vector.load %arg9[%swap3A, %swap3A_54] : memref<1000x128xf32, #tpu.memory_space<vmem>>, vector<1000x128xf32>
    tpu.vector_store %arg9[%swap3A, %swap3A_54], %add3A_53 {strides = array<i32>} : memref<1000x128xf32, #tpu.memory_space<vmem>>, vector<1000x128xf32>,
    return
  }
  func.func @transform_0(%arg0: i32) -> (i32, i32, i32) {
    %c0_i32 = arith.constant 0 : i32
    %c0_i32_0 = arith.constant 0 : i32
    %c0_i32_1 = arith.constant 0 : i32
    return %c0_i32, %arg0, %c0_i32_0 : i32, i32, i32
  }
  func.func @transform_1(%arg0: i32) -> (i32, i32, i32) {
    %c0_i32 = arith.constant 0 : i32
    %c0_i32_0 = arith.constant 0 : i32
    %c0_i32_1 = arith.constant 0 : i32
    return %c0_i32, %arg0, %c0_i32_0 : i32, i32, i32
  }
  func.func @transform_2(%arg0: i32) -> (i32, i32) {
    %c0_i32 = arith.constant 0 : i32
    %c0_i32_0 = arith.constant 0 : i32
    return %arg0, %c0_i32 : i32, i32
  }
  func.func @transform_3(%arg0: i32) -> (i32, i32) {
    %c0_i32 = arith.constant 0 : i32
    %c0_i32_0 = arith.constant 0 : i32
    %c0_i32_1 = arith.constant 0 : i32
    return %c0_i32, %c0_i32_0 : i32, i32
  }
  func.func @transform_4(%arg0: i32) -> (i32, i32) {
    %c0_i32 = arith.constant 0 : i32
    %c0_i32_0 = arith.constant 0 : i32
    %c0_i32_1 = arith.constant 0 : i32
    return %c0_i32, %c0_i32_0 : i32, i32
  }
  func.func @transform_5(%arg0: i32) -> (i32, i32) {
    %c0_i32 = arith.constant 0 : i32
    %c0_i32_0 = arith.constant 0 : i32
    %c0_i32_1 = arith.constant 0 : i32
    return %c0_i32, %c0_i32_0 : i32, i32
  }
  func.func @transform_6(%arg0: i32) -> (i32, i32) {
    %c0_i32 = arith.constant 0 : i32
    %c0_i32_0 = arith.constant 0 : i32
    %c0_i32_1 = arith.constant 0 : i32
    return %c0_i32, %c0_i32_0 : i32, i32
  }
  func.func @transform_7(%arg0: i32) -> (i32, i32) {
    %c0_i32 = arith.constant 0 : i32
    %c0_i32_0 = arith.constant 0 : i32
    %c0_i32_1 = arith.constant 0 : i32
    return %c0_i32, %c0_i32_0 : i32, i32
  }
  func.func @transform_8(%arg0: i32) -> (i32, i32) {
    %c0_i32 = arith.constant 0 : i32
    %c0_i32_0 = arith.constant 0 : i32
    return %arg0, %c0_i32 : i32, i32
  }
}

</mosaic_0001>

<sc_bundles>
// kernel: kernel.11.cloned.1.call-start
scs
__scs_entry_jumppad:
0x0: {  	(pc) =	sbr.rel $0x88, $3  }
0x1: {  	(tag) =	ssettag $0x0;
	lr =	simm.s32 $0x1  }
0x2: {  	[smem:$0x3F97] =	sst lr;
	_ =	strace $0xD0000000  }
0x3: {  	_ = 	snop  }
0x4: {  	_ = 	snop  }
0x5: {  	_ = 	snop  }
0x6: {  	_ = 	snop  }
0x7: {  	_ = 	snop  }
__scs_overlays_trampoline_lowered:
0x8: {  	[smem:$0x3FA6] =	sst s0  }
0x9: {  	[smem:$0x3FA7] =	sst s1  }
0xa: {  	[smem:$0x3FA8] =	sst s2  }
0xb: {  	[smem:$0x3FA9] =	sst s3  }
0xc: {  	[smem:$0x3FAA] =	sst s4  }
0xd: {  	[smem:$0x3FAB] =	sst s5  }
0xe: {  	[smem:$0x3FAC] =	sst s6  }
0xf: {  	[smem:$0x3FAD] =	sst s7  }
0x10: {  	[smem:$0x3FAE] =	sst s8  }
0x11: {  	[smem:$0x3FAF] =	sst s9;
	s0 =	simm.s32 @!p0 $0x0  }
0x12: {  	s1 =	sld [smem:$0x3F95];
	s0 =	simm.s32 @p0 $0x1  }
0x13: {  	[smem:$0x3FB0] =	sst s0;
	s0 =	simm.s32 @!p1 $0x0  }
0x14: {  	s2 =	sld [smem:$0x3F94];
	s0 =	simm.s32 @p1 $0x1  }
0x15: {  	[smem:$0x3FB1] =	sst s0;
	s0 =	simm.s32 @!p2 $0x0  }
0x16: {  	s3 =	sld [smem:$0x3FDB];
	s0 =	simm.s32 @p2 $0x1  }
0x17: {  	s4 =	simm.s32 $0x1BF5;
	[smem:$0x3FB3] =	sst s0  }
0x18: {  	s0 =	sld [smem:$0x3F96];
	_ =	swait.ge [sflag:s4], $0x0  }
0x19: {  	s7 =	sld [smem:$0x3F97]  }
0x1a: {  	s8 =	sadd.s32 $0xFFFFE003, lr  }
0x1b: {  	s9 =	sadd.s32 $0xFFFFFEF7, lr;
	s5 =	simm.s32 $0xFFFFFFFF;
	p2 =	slt.u32 s8, $0xFFFFF086  }
0x1c: {  	p1 =	slt.u32 s9, $0xF7A;
	s5 =	simm.s32 @!p2 $0x0  }
0x1d: {  	s5 =	simm.s32 @p1 $0x1;
	p0 =	seq.s32 s7, s2  }
0x1e: {  	s7 =	smul.u32 @!p0 $0xF7A, s2;
	p2 =	seq.s32 @!p0 s5, $0x0  }
0x1f: {  	s9 =	smul.u32 $0xF7A, s1;
	s8 =	simm.s32 @!p0 $0x1BF5;
	p2 =	por !p2, p0  }
0x20: {  	[sflag:s8] =	ssyncset.s32 @!p0 $0xFFFFF086;
	s6 =	sadd.s32 @!p0 s3, s7;
	s7 =	simm.s32 @!p0 $0x108  }
0x21: {  	s3 =	sadd.s32 s3, s9;
	s6 =	sadd.s32 @!p0 $0x88, s6;
	s7 =	simm.s32 @p2 $0x1082  }
0x22: {  	[simem:s7], [sflag:s8] =	dma.local @!p0 [hbm:s6], $0xF7A  }
0x23: {  	s9 =	sor.u32 $0xD0000000, s2;
	s6 =	simm.s32 $0x108;
	_ =	swait.ge @!p0 [sflag:s8], $0x0  }
0x24: {  	s3 =	sadd.s32 $0x88, s3;
	s6 =	simm.s32 @!p1 $0x1082;
	[sflag:s4] =	ssyncset.s32 $0xFFFFF086  }
0x25: {  	[simem:s6], [sflag:s4] =	dma.local [hbm:s3], $0xF7A  }
0x26: {  	[smem:$0x3F97] =	sst s1;
	(tag) =	ssettag s2;
	_ =	strace s9  }
0x27: {  	s1 =	sld [smem:$0x3FA7]  }
0x28: {  	s2 =	sld [smem:$0x3FA8]  }
0x29: {  	s4 =	sld [smem:$0x3FAA]  }
0x2a: {  	p0 =	seq.s32 s5, $0x0;
	s5 =	sld [smem:$0x3FAB]  }
0x2b: {  	s6 =	sld [smem:$0x3FAC]  }
0x2c: {  	s7 =	sld [smem:$0x3FAD]  }
0x2d: {  	s3 =	simm.s32 $0x108;
	s8 =	sld [smem:$0x3FAE]  }
0x2e: {  	s3 =	simm.s32 @!p0 $0x1082;
	s9 =	sld [smem:$0x3FAF]  }
0x2f: {  	lr =	sadd.s32 s0, s3;
	s0 =	sld [smem:$0x3FA6]  }
0x30: {  	s3 =	sld [smem:$0x3FA9]  }
0x31: {  	[smem:$0x3FB2] =	sst s10  }
0x32: {  	s10 =	sld [smem:$0x3FB0];
	_ =	sdelay $0x3  }
0x33: {  	p0 =	seq.s32 s10, $0x1;
	s10 =	sld [smem:$0x3FB2];
	_ =	sdelay $0x3  }
0x34: {  	[smem:$0x3FB2] =	sst s10  }
0x35: {  	s10 =	sld [smem:$0x3FB1];
	_ =	sdelay $0x3  }
0x36: {  	p1 =	seq.s32 s10, $0x1;
	s10 =	sld [smem:$0x3FB2];
	_ =	sdelay $0x3  }
0x37: {  	[smem:$0x3FB2] =	sst s10  }
0x38: {  	s10 =	sld [smem:$0x3FB3]  }
0x39: {  	_ = 	snop;
	(pc) =	sbr.ind lr, $3  }
0x3a: {  	_ = 	snop  }
0x3b: {  	_ = 	snop  }
0x3c: {  	p2 =	seq.s32 s10, $0x1;
	s10 =	sld [smem:$0x3FB2]  }
0x3d: {  	_ =	shalt  }
0x3e: {  	_ =	shalt  }
0x3f: {  	_ =	shalt  }
0x40: {  	_ =	shalt  }
0x41: {  	_ =	shalt  }
0x42: {  	_ =	shalt  }
0x43: {  	_ =	shalt  }
0x44: {  	_ =	shalt  }
0x45: {  	_ =	shalt  }
0x46: {  	_ =	shalt  }
0x47: {  	_ =	shalt  }
0x48: {  	_ =	shalt  }
0x49: {  	_ =	shalt  }
0x4a: {  	_ =	shalt  }
0x4b: {  	_ =	shalt  }
0x4c: {  	_ =	shalt  }
0x4d: {  	_ =	shalt  }
0x4e: {  	_ =	shalt  }
0x4f: {  	_ =	shalt  }
0x50: {  	_ =	shalt  }
0x51: {  	_ =	shalt  }
0x52: {  	_ =	shalt  }
0x53: {  	_ =	shalt  }
0x54: {  	_ =	shalt  }
0x55: {  	_ =	shalt  }
0x56: {  	_ =	shalt  }
0x57: {  	_ =	shalt  }
0x58: {  	_ =	shalt  }
0x59: {  	_ =	shalt  }
0x5a: {  	_ =	shalt  }
0x5b: {  	_ =	shalt  }
0x5c: {  	_ =	shalt  }
0x5d: {  	_ =	shalt  }
0x5e: {  	_ =	shalt  }
0x5f: {  	_ =	shalt  }
0x60: {  	_ =	shalt  }
0x61: {  	_ =	shalt  }
0x62: {  	_ =	shalt  }
0x63: {  	_ =	shalt  }
0x64: {  	_ =	shalt  }
0x65: {  	_ =	shalt  }
0x66: {  	_ =	shalt  }
0x67: {  	_ =	shalt  }
0x68: {  	_ =	shalt  }
0x69: {  	_ =	shalt  }
0x6a: {  	_ =	shalt  }
0x6b: {  	_ =	shalt  }
0x6c: {  	_ =	shalt  }
0x6d: {  	_ =	shalt  }
0x6e: {  	_ =	shalt  }
0x6f: {  	_ =	shalt  }
0x70: {  	_ =	shalt  }
0x71: {  	_ =	shalt  }
0x72: {  	_ =	shalt  }
0x73: {  	_ =	shalt  }
0x74: {  	_ =	shalt  }
0x75: {  	_ =	shalt  }
0x76: {  	_ =	shalt  }
0x77: {  	_ =	shalt  }
0x78: {  	_ =	shalt  }
0x79: {  	_ =	shalt  }
0x7a: {  	_ =	shalt  }
0x7b: {  	_ =	shalt  }
0x7c: {  	_ =	shalt  }
0x7d: {  	_ =	shalt  }
0x7e: {  	_ =	shalt  }
0x7f: {  	_ =	shalt  }
0x80: {  	_ =	shalt  }
0x81: {  	_ =	shalt  }
0x82: {  	_ =	shalt  }
0x83: {  	_ =	shalt  }
0x84: {  	_ =	shalt  }
0x85: {  	_ =	shalt  }
0x86: {  	_ =	shalt  }
0x87: {  	_ =	shalt  }
.Lfunc_end0:
.L_simem_size_0:
called_computation.1_lowered:
.L_overlay_start_0:
0x88: {  	s2 =	sld [smem:$0x3FD9]  }
0x89: {  	s3 =	sld [smem:$0x3FFE];
	_ =	sdelay $0x1  }
0x8a: {  	s1 =	srdreg.scid  }
0x8b: {  	s0 =	sand.u32 $0x1, s1  }
0x8c: {  	s17 =	sshll.u32 s0, $0xA;
	s2 =	sadd.s32 s3, s2  }
0x8d: {  	s2 =	sadd.s32 s2, s17  }
0x8e: {  	[smem:$0x3FBE] =	sst s2  }
0x8f: {  	_ = 	snop  }
0x90: {  	s2 =	sld [smem:$0x3FD0];
	(tm) =	ssettm $0x1  }
0x91: {  	s18 =	sld [smem:$0x3FFB];
	_ =	sdelay $0x3  }
0x92: {  	_ =	strace s18  }
0x93: {  	s3 =	sld [smem:$0x3FFC];
	_ =	sdelay $0x3  }
0x94: {  	_ =	strace s3  }
0x95: {  	s3 =	sld [smem:$0x3FFD];
	_ =	sdelay $0x3  }
0x96: {  	_ =	strace s3  }
0x97: {  	_ =	strace $0x8FFFFFFF  }
0x98: {  	s19 =	sld [smem:$0x3FDB];
	_ =	sdelay $0x1  }
0x99: {  	s4 =	simm.s32 $_scs_section_size  }
0x9a: {  	s5 =	simm.s32 $_size__tile_overlayer_lowered;
	s6 =	simm.s32 $_tile_overlayer_lowered  }
0x9b: {  	s22 =	simm.s32 $0x1BFF;
	s21 =	sshll.u32 s6, $0x1;
	s3 =	sadd.s32 s4, s19  }
0x9c: {  	s7 =	simm.s32 $0x0;
	s20 =	sshll.u32 s5, $0x1;
	s5 =	sadd.s32 s21, s3  }
0x9d: {  	[timem:s7], [sflag:s22] =	dma.local [hbm:s5], s20  }
0x9e: {  	_ =	swait.ge [sflag:s22], s20  }
0x9f: {  	s4 =	ssub.s32 $0x0, s20;
	[sflag:s22] =	ssyncset.done $0x0  }
0xa0: {  	[sflag:s22] =	ssyncadd.s32 s4;
	_ =	sdelay $0x1  }
0xa1: {  	s23 =	simm.s32 $0x1B8B  }
0xa2: {  	_ =	swait.ge [sflag:s23], $0x1  }
0xa3: {  	[sflag:s23] =	ssyncset.done $0x0  }
0xa4: {  	s25 =	simm.s32 $0x1B8E;
	s24 =	sld [smem:$0x3FFE];
	[sflag:s23] =	ssyncadd.s32 $0xFFFFFFFF  }
0xa5: {  	s26 =	simm.s32 $execute0_lowered;
	[smem:$0x3FD2] =	sst s25  }
0xa6: {  	s5 =	sshll.u32 s26, $0x1;
	_ =	strace $0x80000049;
	[dreg:$0x1] =	wrdreg $0xFFFFFFFF  }
0xa7: {  	s28 =	simm.s32 $_size_execute0_lowered;
	s3 =	sadd.s32 s3, s5;
	[dreg:$0x0] =	wrdreg $0x0  }
0xa8: {  	s5 =	sshll.u32 s28, $0x1;
	[dreg:$0x2] =	wrdreg s3  }
0xa9: {  	[dreg:$0x3] =	wrdreg s5  }
0xaa: {  	[dreg:$0x4] =	wrdreg $0xC0  }
0xab: {  	_ =	task [dreg:s7], $0x5FFFF  }
0xac: {  	[dreg:$0x1] =	wrdreg $0xFFFFFFFF  }
0xad: {  	[dreg:$0x0] =	wrdreg $0x60  }
0xae: {  	[dreg:$0x2] =	wrdreg s2  }
0xaf: {  	[dreg:$0x3] =	wrdreg s24  }
0xb0: {  	[dreg:$0x4] =	wrdreg $0x61000  }
0xb1: {  	[dreg:$0x5] =	wrdreg $0x9  }
0xb2: {  	_ =	task.clear_ibuf [dreg:s7], $0x6FFFF;
	_ =	strace $0x90000049  }
0xb3: {  	s29 =	simm.s32 $0x9;
	_ =	strace $0x8000004B  }
0xb4: {  	_ =	swait.ge [sflag:s29], $0x1  }
0xb5: {  	[sflag:s29] =	ssyncadd.s32 $0xFFFFFFFF  }
0xb6: {  	_ =	strace $0x9000004B  }
0xb7: {  	_ =	sfence  }
0xb8: {  	s30 =	sld [smem:$0x0];
	_ =	sdelay $0x2  }
0xb9: {  	s31 =	sshll.u32 s1, $0xD;
	s1 =	sshrl.u32 s1, $0x2  }
0xba: {  	s3 =	sand.u32 $0x4000, s31;
	s1 =	sadd.s32 s1, s30  }
0xbb: {  	s0 =	sor.u32 s3, s0;
	s1 =	sshll.u32 s1, $0x11  }
0xbc: {  	s0 =	sor.u32 s1, s0  }
0xbd: {  	s0 =	sadd.s32 $0x8F2B, s0  }
0xbe: {  	[sflag:s0] =	ssyncadd.remote.s32 $0x1  }
0xbf: {  	_ =	sfence.sel $0xFFFF  }
0xc0: {  	[dreg:$0x0] =	wrdreg $0xFFFFFFFF;
	(pc) =	sbr.abs _section_cstart, $3  }
0xc1: {  	[dreg:$0x1] =	wrdreg $0xFFFFFFFF  }
0xc2: {  	_ =	task.clear_ibuf [dreg:s7], $0x2FFFF;
	_ =	strace $0x9FFFFFFF  }
0xc3: {  	(tm) =	ssettm $0x7FFFFFFF  }
tec
execute0_lowered:
.L_overlay_start_1:
0x0: {  	(tag) =	ssettag $0x1  }
0x1: {  	s1 =	rddreg [dreg:$0x0]  }
0x2: {  	s5 =	rddreg [dreg:$0x1]  }
0x3: {  	s2 =	rddreg [dreg:$0x2];
	s3 =	simm.s32 $0x0;
	s0 =	stileid.u32  }
0x4: {  	s4 =	srdreg.scid;
	s20 =	simm.s32 $0x4100;
	s8 =	smul.u32 $0x50000, s0  }
0x5: {  	s21 =	simm.s32 $0x2;
	s22 =	simm.s32 $0x80;
	s10 =	smul.u32 $0x13C00, s0  }
0x6: {  	s23 =	simm.s32 $0x100;
	s28 =	simm.s32 $0x0;
	s29 =	smul.u32 $0x4F000, s0  }
0x7: {  	[smem:$0x7FF] =	sst s3;
	s6 =	sand.u32 $0x1, s4;
	s18 =	smul.u32 $0x4F0, s0  }
0x8: {  	s9 =	sadd.s32 $0xC400, s5;
	p0 =	seq.s32 s0, $0xF;
	s7 =	smul.u32 $0x4F00, s6  }
0x9: {  	_ =	strace $0x8000004A;
	s24 =	ssub.s32 $0x2, s6;
	s6 =	smul.u32 $0x138800, s6  }
0xa: {  	s25 =	sshrl.u32 s24, $0x1;
	s26 =	sshrl.u32 s8, $0x2;
	s17 =	sadd.s32 s7, s5  }
0xb: {  	s11 =	ssub.s32 s24, s25;
	s5 =	sadd.s32 s26, s2;
	s30 =	sadd.s32 s10, s6  }
0xc: {  	s6 =	sshrl.u32 s6, $0x3;
	s7 =	sshrl.u32 s29, $0x2;
	s24 =	sadd.s32 $0x128400, s2  }
0xd: {  	s26 =	simm.s32 $0x1;
	s8 =	sshrl.u32 s30, $0x3;
	s31 =	sadd.s32 s9, s6  }
0xe: {  	s25 =	sadd.s32 s7, s2;
	s10 =	sadd.s32 $0x4000, s5;
	s12 =	sadd.s32 $0x8000, s5  }
0xf: {  	s13 =	sadd.s32 $0xA000, s5;
	s14 =	sadd.s32 $0xC000, s5;
	s15 =	sadd.s32 $0xE000, s5  }
0x10: {  	s16 =	sadd.s32 $0x10000, s5;
	s19 =	sadd.s32 s18, s17;
	s17 =	sadd.s32 $0x12000, s5  }
0x11: {  	s24 =	sshrl.u32 @p0 s24, $0x3;
	s6 =	sadd.s32 s9, s8;
	s7 =	sadd.s32 $0x25080, s31  }
0x12: {  	s8 =	smax.u32 s11, $0x1;
	s9 =	sadd.s32 $0x2000, s5;
	s11 =	sadd.s32 $0x6000, s5  }
0x13: {  	v0 =	vimm.f32 $0.0e+00;
	s18 =	sadd.s32 $0x2600, s19;
	s19 =	sadd.s32 $0x5A600, s19;
	s25 =	sshrl.u32 @!p0 s25, $0x3  }
.LBB2_1:
0x14: {  	s29 =	sand.u32 $0x7E00, s3  }
0x15: {  	s30 =	sand.u32 $0x70, s3;
	s31 =	sshrl.u32 s29, $0x2  }
0x16: {  	s29 =	simm.s32 $0x40;
	s31 =	sor.u32 s30, s31;
	s30 =	simm.s32 $0x0  }
.LBB2_2:
0x17: {  	p1 =	sne.s32 s29, $0x7FC0  }
0x18: {  	[tilespmem:s31+$0x4100] =	vst v0;
	s30 =	sadd.s32 $0x10, s30;
	s31 =	smov.u32 s29;
	s29 =	sadd.s32 $0x40, s29  }
.Ltmp0:
0x19: {  	(pc) =	sbr.rel @p1 .LBB2_2-.Ltmp0, $4  }
0x1a: {  	_ = 	snop  }
0x1b: {  	s31 =	sand.u32 $0x7E00, s31  }
0x1c: {  	s0 =	sand.u32 $0x70, s30;
	s31 =	sshrl.u32 s31, $0x2  }
0x1d: {  	s31 =	sor.u32 s0, s31  }
0x1e: {  	[tilespmem:s31+$0x4100] =	vst v0  }
0x1f: {  	[spmem:s5] =	stream.linear.scatter [tilespmem:s20], [sflag:$0x2], $0x2000, $0x38;
	[tilespmem:$0x1A100] =	vst v63  }
0x20: {  	_ =	swait.ge [sflag:s21], $0x2000  }
0x21: {  	[sflag:s21] =	ssyncset.done $0x0  }
0x22: {  	[sflag:s21] =	ssyncadd.s32 $0xFFFFE000  }
0x23: {  	[spmem:s9] =	stream.linear.scatter [tilespmem:s20], [sflag:$0x2], $0x2000, $0x38;
	[tilespmem:$0x1A100] =	vst v63  }
0x24: {  	_ =	swait.ge [sflag:s21], $0x2000  }
0x25: {  	[sflag:s21] =	ssyncset.done $0x0  }
0x26: {  	[sflag:s21] =	ssyncadd.s32 $0xFFFFE000  }
0x27: {  	[spmem:s10] =	stream.linear.scatter [tilespmem:s20], [sflag:$0x2], $0x2000, $0x38;
	[tilespmem:$0x1A100] =	vst v63  }
0x28: {  	_ =	swait.ge [sflag:s21], $0x2000  }
0x29: {  	[sflag:s21] =	ssyncset.done $0x0  }
0x2a: {  	[sflag:s21] =	ssyncadd.s32 $0xFFFFE000  }
0x2b: {  	[spmem:s11] =	stream.linear.scatter [tilespmem:s20], [sflag:$0x2], $0x2000, $0x38;
	[tilespmem:$0x1A100] =	vst v63  }
0x2c: {  	_ =	swait.ge [sflag:s21], $0x2000  }
0x2d: {  	[sflag:s21] =	ssyncset.done $0x0  }
0x2e: {  	[sflag:s21] =	ssyncadd.s32 $0xFFFFE000  }
0x2f: {  	[spmem:s12] =	stream.linear.scatter [tilespmem:s20], [sflag:$0x2], $0x2000, $0x38;
	[tilespmem:$0x1A100] =	vst v63  }
0x30: {  	_ =	swait.ge [sflag:s21], $0x2000  }
0x31: {  	[sflag:s21] =	ssyncset.done $0x0  }
0x32: {  	[sflag:s21] =	ssyncadd.s32 $0xFFFFE000  }
0x33: {  	[spmem:s13] =	stream.linear.scatter [tilespmem:s20], [sflag:$0x2], $0x2000, $0x38;
	[tilespmem:$0x1A100] =	vst v63  }
0x34: {  	_ =	swait.ge [sflag:s21], $0x2000  }
0x35: {  	[sflag:s21] =	ssyncset.done $0x0  }
0x36: {  	[sflag:s21] =	ssyncadd.s32 $0xFFFFE000  }
0x37: {  	[spmem:s14] =	stream.linear.scatter [tilespmem:s20], [sflag:$0x2], $0x2000, $0x38;
	[tilespmem:$0x1A100] =	vst v63  }
0x38: {  	_ =	swait.ge [sflag:s21], $0x2000  }
0x39: {  	[sflag:s21] =	ssyncset.done $0x0  }
0x3a: {  	[sflag:s21] =	ssyncadd.s32 $0xFFFFE000  }
0x3b: {  	[spmem:s15] =	stream.linear.scatter [tilespmem:s20], [sflag:$0x2], $0x2000, $0x38;
	[tilespmem:$0x1A100] =	vst v63  }
0x3c: {  	_ =	swait.ge [sflag:s21], $0x2000  }
0x3d: {  	[sflag:s21] =	ssyncset.done $0x0  }
0x3e: {  	[sflag:s21] =	ssyncadd.s32 $0xFFFFE000  }
0x3f: {  	[spmem:s16] =	stream.linear.scatter [tilespmem:s20], [sflag:$0x2], $0x2000, $0x38;
	[tilespmem:$0x1A100] =	vst v63  }
0x40: {  	_ =	swait.ge [sflag:s21], $0x2000  }
0x41: {  	[sflag:s21] =	ssyncset.done $0x0  }
0x42: {  	[sflag:s21] =	ssyncadd.s32 $0xFFFFE000  }
0x43: {  	[spmem:s17] =	stream.linear.scatter [tilespmem:s20], [sflag:$0x2], $0x2000, $0x38;
	[tilespmem:$0x1A100] =	vst v63  }
0x44: {  	_ =	swait.ge [sflag:s21], $0x2000  }
0x45: {  	[sflag:s21] =	ssyncset.done $0x0  }
0x46: {  	[sflag:s21] =	ssyncadd.s32 $0xFFFFE000  }
0x47: {  	s0 =	sadd.s32 $0x0, s19;
	[bflag:$0x0] =	sbarrier.arrive $0xFFFF  }
0x48: {  	[tilespmem:s3], [sflag:$0x2] =	stream.linear.gather [hbm4b:s0+s3], $0x80, $0x38;
	[tilespmem:$0x1A100] =	vst v63  }
0x49: {  	_ =	swait.ge [sflag:s21], $0x80  }
0x4a: {  	[sflag:s21] =	ssyncset.done $0x0  }
0x4b: {  	s31 =	sadd.s32 $0x0, s18;
	[sflag:s21] =	ssyncadd.s32 $0xFFFFFF80  }
0x4c: {  	[tilespmem:s22], [sflag:$0x2] =	stream.linear.gather [hbm4b:s31+s3], $0x80, $0x38;
	[tilespmem:$0x1A100] =	vst v63  }
0x4d: {  	_ =	swait.ge [sflag:s21], $0x80  }
0x4e: {  	[sflag:s21] =	ssyncset.done $0x0  }
0x4f: {  	[sflag:s21] =	ssyncadd.s32 $0xFFFFFF80  }
0x50: {  	[tilespmem:s23], [sflag:$0x1] =	stream.indirect.gather [hbm4b:s1+s22], $0x80, s3, s22, $0xb8;
	[tilespmem:$0x1A100] =	vst v63  }
0x51: {  	_ =	swait.ge [sflag:s26], $0x4000  }
0x52: {  	[sflag:s26] =	ssyncset.done $0x0  }
0x53: {  	[sflag:s26] =	ssyncadd.s32 $0xFFFFC000  }
0x54: {  	[spmem:s2] =	stream.indirect.scatter.add.f32 [tilespmem:s23], [sflag:$0x2], $0x80, s22, s22, $0xb8;
	[tilespmem:$0x1A100] =	vst v63  }
0x55: {  	_ =	swait.ge [sflag:s21], $0x4000  }
0x56: {  	s29 =	simm.s32 $0x10;
	s30 =	simm.s32 $0x20;
	[sflag:s21] =	ssyncset.done $0x0  }
.LBB2_4:
0x57: {  	s0 =	sadd.s32 s29, s19  }
0x58: {  	[sflag:s21] =	ssyncadd.s32 $0xFFFFC000;
	s31 =	smov.u32 s30;
	s4 =	sadd.s32 $0x10, s30  }
0x59: {  	[tilespmem:s3], [sflag:$0x2] =	stream.linear.gather [hbm4b:s0+s3], $0x80, $0x38;
	[tilespmem:$0x1A100] =	vst v63  }
0x5a: {  	p1 =	sne.s32 s30, $0x4E0;
	_ =	swait.ge [sflag:s21], $0x80  }
0x5b: {  	[sflag:s21] =	ssyncset.done $0x0  }
0x5c: {  	s0 =	sadd.s32 s29, s18;
	s29 =	smov.u32 s31;
	[sflag:s21] =	ssyncadd.s32 $0xFFFFFF80  }
0x5d: {  	[tilespmem:s22], [sflag:$0x2] =	stream.linear.gather [hbm4b:s0+s3], $0x80, $0x38;
	[tilespmem:$0x1A100] =	vst v63  }
0x5e: {  	_ =	swait.ge [sflag:s21], $0x80  }
0x5f: {  	[sflag:s21] =	ssyncset.done $0x0  }
0x60: {  	[sflag:s21] =	ssyncadd.s32 $0xFFFFFF80  }
0x61: {  	[tilespmem:s23], [sflag:$0x1] =	stream.indirect.gather [hbm4b:s1+s22], $0x80, s3, s22, $0xb8;
	[tilespmem:$0x1A100] =	vst v63  }
0x62: {  	_ =	swait.ge [sflag:s26], $0x4000  }
.Ltmp1:
0x63: {  	[sflag:s26] =	ssyncset.done $0x0;
	(pc) =	sbr.rel @p1 .LBB2_4-.Ltmp1, $4  }
0x64: {  	[sflag:s26] =	ssyncadd.s32 $0xFFFFC000  }
0x65: {  	[spmem:s2] =	stream.indirect.scatter.add.f32 [tilespmem:s23], [sflag:$0x2], $0x80, s22, s22, $0xb8;
	[tilespmem:$0x1A100] =	vst v63  }
0x66: {  	_ =	swait.ge [sflag:s21], $0x4000  }
0x67: {  	s30 =	smov.u32 s4;
	[sflag:s21] =	ssyncset.done $0x0  }
0x68: {  	s0 =	sadd.s32 s29, s19;
	[sflag:s21] =	ssyncadd.s32 $0xFFFFC000  }
0x69: {  	[tilespmem:s3], [sflag:$0x2] =	stream.linear.gather [hbm4b:s0+s3], $0x80, $0x38;
	[tilespmem:$0x1A100] =	vst v63  }
0x6a: {  	_ =	swait.ge [sflag:s21], $0x80  }
0x6b: {  	[sflag:s21] =	ssyncset.done $0x0  }
0x6c: {  	s31 =	sadd.s32 s29, s18;
	[sflag:s21] =	ssyncadd.s32 $0xFFFFFF80  }
0x6d: {  	[tilespmem:s22], [sflag:$0x2] =	stream.linear.gather [hbm4b:s31+s3], $0x80, $0x38;
	[tilespmem:$0x1A100] =	vst v63  }
0x6e: {  	_ =	swait.ge [sflag:s21], $0x80  }
0x6f: {  	[sflag:s21] =	ssyncset.done $0x0  }
0x70: {  	[sflag:s21] =	ssyncadd.s32 $0xFFFFFF80  }
0x71: {  	[tilespmem:s23], [sflag:$0x1] =	stream.indirect.gather [hbm4b:s1+s22], $0x80, s3, s22, $0xb8;
	[tilespmem:$0x1A100] =	vst v63  }
0x72: {  	_ =	swait.ge [sflag:s26], $0x4000  }
0x73: {  	[sflag:s26] =	ssyncset.done $0x0  }
0x74: {  	[sflag:s26] =	ssyncadd.s32 $0xFFFFC000  }
0x75: {  	[spmem:s2] =	stream.indirect.scatter.add.f32 [tilespmem:s23], [sflag:$0x2], $0x80, s22, s22, $0xb8;
	[tilespmem:$0x1A100] =	vst v63  }
0x76: {  	_ =	swait.ge [sflag:s21], $0x4000  }
0x77: {  	[sflag:s21] =	ssyncset.done $0x0  }
0x78: {  	[sflag:s21] =	ssyncadd.s32 $0xFFFFC000  }
0x79: {  	s0 =	simm.s32 @p0 $0x1FC2;
	[bflag:$0x0] =	sbarrier.arrive $0xFFFF  }
0x7a: {  	[hbm:s7], [sflag:s0] =	dma.local @p0 [spmem:s24], $0x2080  }
0x7b: {  	s0 =	simm.s32 @p0 $0x2  }
0x7c: {  	s4 =	stileid.u32;
	_ =	swait.ge @p0 [sflag:s0], $0x2080  }
0x7d: {  	s28 =	sadd.s32 $0x1, s28;
	s4 =	sshll.u32 @!p0 s4, $0x6;
	[sflag:s0] =	ssyncset.done @p0 $0x0  }
0x7e: {  	p1 =	sne.s32 s28, s8;
	[sflag:s0] =	ssyncadd.s32 @p0 $0xFFFFDF80;
	s0 =	sor.u32 @!p0 $0x1C02, s4  }
0x7f: {  	[hbm:s6], [sflag:s0] =	dma.local @!p0 [spmem:s25], $0x2780  }
.Ltmp2:
0x80: {  	_ = 	snop;
	(pc) =	sbr.rel @p1 .LBB2_1-.Ltmp2, $4  }
0x81: {  	s0 =	simm.s32 @!p0 $0x2  }
0x82: {  	_ =	swait.ge @!p0 [sflag:s0], $0x2780  }
0x83: {  	[sflag:s0] =	ssyncset.done @!p0 $0x0  }
0x84: {  	[sflag:s0] =	ssyncadd.s32 @!p0 $0xFFFFD880  }
0x85: {  	_ =	sfence.sel $0x180000  }
0x86: {  	[bflag:$0x0] =	sbarrier.arrive $0xFFFF  }
0x87: {  	_ =	strace $0x9000004A  }
0x88: {  	s0 =	stileid.u32;
	[bflag:$0x2] =	sbarrier.arrive $0xFFFF  }
0x89: {  	p0 =	sne.s32 s0, $0x0;
	s0 =	rddreg [dreg:$0x3]  }
0x8a: {  	s0 =	sadd.s32 @!p0 $0x100000, s0  }
0x8b: {  	[sflag:s0] =	ssyncadd.tile.s32 @!p0 $0x1;
	_ =	shalt  }
.Lfunc_end2:
_tile_overlayer_lowered:
.L_overlay_start_2:
0x8c: {  	(tag) =	ssettag $0x2  }
0x8d: {  	s0 =	rddreg [dreg:$0x0];
	s2 =	stileid.u32  }
0x8e: {  	s1 =	rddreg [dreg:$0x1];
	p0 =	sne.s32 s2, $0x0  }
0x8f: {  	s3 =	rddreg [dreg:$0x2];
	[bflag:$0x3] =	sbarrier.arrive $0xFFFF;
	s2 =	simm.s32 @!p0 $0x1C02  }
0x90: {  	[timem:s3], [sflag:s2] =	dma.local @!p0 [hbm:s0], s1  }
0x91: {  	s0 =	simm.s32 @!p0 $0x2  }
0x92: {  	_ =	swait.ge @!p0 [sflag:s0], s1  }
0x93: {  	s1 =	ssub.s32 @!p0 $0x0, s1;
	[sflag:s0] =	ssyncset.done @!p0 $0x0  }
0x94: {  	[sflag:s0] =	ssyncadd.s32 @!p0 s1  }
0x95: {  	[bflag:$0x3] =	sbarrier.arrive $0xFFFF  }
0x96: {  	_ =	shalt  }

// kernel: kernel.14.cloned.1.call-start
scs
__scs_entry_jumppad:
0x0: {  	(pc) =	sbr.rel $0x88, $3  }
0x1: {  	(tag) =	ssettag $0x0;
	lr =	simm.s32 $0x1  }
0x2: {  	[smem:$0x3F97] =	sst lr;
	_ =	strace $0xD0000000  }
0x3: {  	_ = 	snop  }
0x4: {  	_ = 	snop  }
0x5: {  	_ = 	snop  }
0x6: {  	_ = 	snop  }
0x7: {  	_ = 	snop  }
__scs_overlays_trampoline_lowered:
0x8: {  	[smem:$0x3FA6] =	sst s0  }
0x9: {  	[smem:$0x3FA7] =	sst s1  }
0xa: {  	[smem:$0x3FA8] =	sst s2  }
0xb: {  	[smem:$0x3FA9] =	sst s3  }
0xc: {  	[smem:$0x3FAA] =	sst s4  }
0xd: {  	[smem:$0x3FAB] =	sst s5  }
0xe: {  	[smem:$0x3FAC] =	sst s6  }
0xf: {  	[smem:$0x3FAD] =	sst s7  }
0x10: {  	[smem:$0x3FAE] =	sst s8  }
0x11: {  	[smem:$0x3FAF] =	sst s9;
	s0 =	simm.s32 @!p0 $0x0  }
0x12: {  	s1 =	sld [smem:$0x3F95];
	s0 =	simm.s32 @p0 $0x1  }
0x13: {  	[smem:$0x3FB0] =	sst s0;
	s0 =	simm.s32 @!p1 $0x0  }
0x14: {  	s2 =	sld [smem:$0x3F94];
	s0 =	simm.s32 @p1 $0x1  }
0x15: {  	[smem:$0x3FB1] =	sst s0;
	s0 =	simm.s32 @!p2 $0x0  }
0x16: {  	s3 =	sld [smem:$0x3FDB];
	s0 =	simm.s32 @p2 $0x1  }
0x17: {  	s4 =	simm.s32 $0x1BF5;
	[smem:$0x3FB3] =	sst s0  }
0x18: {  	s0 =	sld [smem:$0x3F96];
	_ =	swait.ge [sflag:s4], $0x0  }
0x19: {  	s7 =	sld [smem:$0x3F97]  }
0x1a: {  	s8 =	sadd.s32 $0xFFFFE003, lr  }
0x1b: {  	s9 =	sadd.s32 $0xFFFFFEF7, lr;
	s5 =	simm.s32 $0xFFFFFFFF;
	p2 =	slt.u32 s8, $0xFFFFF086  }
0x1c: {  	p1 =	slt.u32 s9, $0xF7A;
	s5 =	simm.s32 @!p2 $0x0  }
0x1d: {  	s5 =	simm.s32 @p1 $0x1;
	p0 =	seq.s32 s7, s2  }
0x1e: {  	s7 =	smul.u32 @!p0 $0xF7A, s2;
	p2 =	seq.s32 @!p0 s5, $0x0  }
0x1f: {  	s9 =	smul.u32 $0xF7A, s1;
	s8 =	simm.s32 @!p0 $0x1BF5;
	p2 =	por !p2, p0  }
0x20: {  	[sflag:s8] =	ssyncset.s32 @!p0 $0xFFFFF086;
	s6 =	sadd.s32 @!p0 s3, s7;
	s7 =	simm.s32 @!p0 $0x108  }
0x21: {  	s3 =	sadd.s32 s3, s9;
	s6 =	sadd.s32 @!p0 $0x88, s6;
	s7 =	simm.s32 @p2 $0x1082  }
0x22: {  	[simem:s7], [sflag:s8] =	dma.local @!p0 [hbm:s6], $0xF7A  }
0x23: {  	s9 =	sor.u32 $0xD0000000, s2;
	s6 =	simm.s32 $0x108;
	_ =	swait.ge @!p0 [sflag:s8], $0x0  }
0x24: {  	s3 =	sadd.s32 $0x88, s3;
	s6 =	simm.s32 @!p1 $0x1082;
	[sflag:s4] =	ssyncset.s32 $0xFFFFF086  }
0x25: {  	[simem:s6], [sflag:s4] =	dma.local [hbm:s3], $0xF7A  }
0x26: {  	[smem:$0x3F97] =	sst s1;
	(tag) =	ssettag s2;
	_ =	strace s9  }
0x27: {  	s1 =	sld [smem:$0x3FA7]  }
0x28: {  	s2 =	sld [smem:$0x3FA8]  }
0x29: {  	s4 =	sld [smem:$0x3FAA]  }
0x2a: {  	p0 =	seq.s32 s5, $0x0;
	s5 =	sld [smem:$0x3FAB]  }
0x2b: {  	s6 =	sld [smem:$0x3FAC]  }
0x2c: {  	s7 =	sld [smem:$0x3FAD]  }
0x2d: {  	s3 =	simm.s32 $0x108;
	s8 =	sld [smem:$0x3FAE]  }
0x2e: {  	s3 =	simm.s32 @!p0 $0x1082;
	s9 =	sld [smem:$0x3FAF]  }
0x2f: {  	lr =	sadd.s32 s0, s3;
	s0 =	sld [smem:$0x3FA6]  }
0x30: {  	s3 =	sld [smem:$0x3FA9]  }
0x31: {  	[smem:$0x3FB2] =	sst s10  }
0x32: {  	s10 =	sld [smem:$0x3FB0];
	_ =	sdelay $0x3  }
0x33: {  	p0 =	seq.s32 s10, $0x1;
	s10 =	sld [smem:$0x3FB2];
	_ =	sdelay $0x3  }
0x34: {  	[smem:$0x3FB2] =	sst s10  }
0x35: {  	s10 =	sld [smem:$0x3FB1];
	_ =	sdelay $0x3  }
0x36: {  	p1 =	seq.s32 s10, $0x1;
	s10 =	sld [smem:$0x3FB2];
	_ =	sdelay $0x3  }
0x37: {  	[smem:$0x3FB2] =	sst s10  }
0x38: {  	s10 =	sld [smem:$0x3FB3]  }
0x39: {  	_ = 	snop;
	(pc) =	sbr.ind lr, $3  }
0x3a: {  	_ = 	snop  }
0x3b: {  	_ = 	snop  }
0x3c: {  	p2 =	seq.s32 s10, $0x1;
	s10 =	sld [smem:$0x3FB2]  }
0x3d: {  	_ =	shalt  }
0x3e: {  	_ =	shalt  }
0x3f: {  	_ =	shalt  }
0x40: {  	_ =	shalt  }
0x41: {  	_ =	shalt  }
0x42: {  	_ =	shalt  }
0x43: {  	_ =	shalt  }
0x44: {  	_ =	shalt  }
0x45: {  	_ =	shalt  }
0x46: {  	_ =	shalt  }
0x47: {  	_ =	shalt  }
0x48: {  	_ =	shalt  }
0x49: {  	_ =	shalt  }
0x4a: {  	_ =	shalt  }
0x4b: {  	_ =	shalt  }
0x4c: {  	_ =	shalt  }
0x4d: {  	_ =	shalt  }
0x4e: {  	_ =	shalt  }
0x4f: {  	_ =	shalt  }
0x50: {  	_ =	shalt  }
0x51: {  	_ =	shalt  }
0x52: {  	_ =	shalt  }
0x53: {  	_ =	shalt  }
0x54: {  	_ =	shalt  }
0x55: {  	_ =	shalt  }
0x56: {  	_ =	shalt  }
0x57: {  	_ =	shalt  }
0x58: {  	_ =	shalt  }
0x59: {  	_ =	shalt  }
0x5a: {  	_ =	shalt  }
0x5b: {  	_ =	shalt  }
0x5c: {  	_ =	shalt  }
0x5d: {  	_ =	shalt  }
0x5e: {  	_ =	shalt  }
0x5f: {  	_ =	shalt  }
0x60: {  	_ =	shalt  }
0x61: {  	_ =	shalt  }
0x62: {  	_ =	shalt  }
0x63: {  	_ =	shalt  }
0x64: {  	_ =	shalt  }
0x65: {  	_ =	shalt  }
0x66: {  	_ =	shalt  }
0x67: {  	_ =	shalt  }
0x68: {  	_ =	shalt  }
0x69: {  	_ =	shalt  }
0x6a: {  	_ =	shalt  }
0x6b: {  	_ =	shalt  }
0x6c: {  	_ =	shalt  }
0x6d: {  	_ =	shalt  }
0x6e: {  	_ =	shalt  }
0x6f: {  	_ =	shalt  }
0x70: {  	_ =	shalt  }
0x71: {  	_ =	shalt  }
0x72: {  	_ =	shalt  }
0x73: {  	_ =	shalt  }
0x74: {  	_ =	shalt  }
0x75: {  	_ =	shalt  }
0x76: {  	_ =	shalt  }
0x77: {  	_ =	shalt  }
0x78: {  	_ =	shalt  }
0x79: {  	_ =	shalt  }
0x7a: {  	_ =	shalt  }
0x7b: {  	_ =	shalt  }
0x7c: {  	_ =	shalt  }
0x7d: {  	_ =	shalt  }
0x7e: {  	_ =	shalt  }
0x7f: {  	_ =	shalt  }
0x80: {  	_ =	shalt  }
0x81: {  	_ =	shalt  }
0x82: {  	_ =	shalt  }
0x83: {  	_ =	shalt  }
0x84: {  	_ =	shalt  }
0x85: {  	_ =	shalt  }
0x86: {  	_ =	shalt  }
0x87: {  	_ =	shalt  }
.Lfunc_end0:
.L_simem_size_0:
called_computation.2_lowered:
.L_overlay_start_0:
0x88: {  	s2 =	sld [smem:$0x3FD9]  }
0x89: {  	s3 =	sld [smem:$0x3FFE];
	_ =	sdelay $0x1  }
0x8a: {  	s1 =	srdreg.scid  }
0x8b: {  	s0 =	sand.u32 $0x1, s1  }
0x8c: {  	s17 =	sshll.u32 s0, $0xA;
	s2 =	sadd.s32 s3, s2  }
0x8d: {  	s2 =	sadd.s32 s2, s17  }
0x8e: {  	[smem:$0x3FBE] =	sst s2  }
0x8f: {  	_ = 	snop  }
0x90: {  	s2 =	sld [smem:$0x3FD0];
	(tm) =	ssettm $0x1  }
0x91: {  	s18 =	sld [smem:$0x3FFB];
	_ =	sdelay $0x3  }
0x92: {  	_ =	strace s18  }
0x93: {  	s3 =	sld [smem:$0x3FFC];
	_ =	sdelay $0x3  }
0x94: {  	_ =	strace s3  }
0x95: {  	s3 =	sld [smem:$0x3FFD];
	_ =	sdelay $0x3  }
0x96: {  	_ =	strace s3  }
0x97: {  	_ =	strace $0x8FFFFFFF  }
0x98: {  	s19 =	sld [smem:$0x3FDB];
	_ =	sdelay $0x1  }
0x99: {  	s4 =	simm.s32 $_scs_section_size  }
0x9a: {  	s5 =	simm.s32 $_size__tile_overlayer_lowered;
	s6 =	simm.s32 $_tile_overlayer_lowered  }
0x9b: {  	s22 =	simm.s32 $0x1BFF;
	s21 =	sshll.u32 s6, $0x1;
	s3 =	sadd.s32 s4, s19  }
0x9c: {  	s7 =	simm.s32 $0x0;
	s20 =	sshll.u32 s5, $0x1;
	s5 =	sadd.s32 s21, s3  }
0x9d: {  	[timem:s7], [sflag:s22] =	dma.local [hbm:s5], s20  }
0x9e: {  	_ =	swait.ge [sflag:s22], s20  }
0x9f: {  	s4 =	ssub.s32 $0x0, s20;
	[sflag:s22] =	ssyncset.done $0x0  }
0xa0: {  	[sflag:s22] =	ssyncadd.s32 s4;
	_ =	sdelay $0x1  }
0xa1: {  	s23 =	simm.s32 $0x1B8B  }
0xa2: {  	_ =	swait.ge [sflag:s23], $0x1  }
0xa3: {  	[sflag:s23] =	ssyncset.done $0x0  }
0xa4: {  	s25 =	simm.s32 $0x1B8E;
	s24 =	sld [smem:$0x3FFE];
	[sflag:s23] =	ssyncadd.s32 $0xFFFFFFFF  }
0xa5: {  	s26 =	simm.s32 $execute0_lowered;
	[smem:$0x3FD2] =	sst s25  }
0xa6: {  	s5 =	sshll.u32 s26, $0x1;
	_ =	strace $0x8000004C;
	[dreg:$0x1] =	wrdreg $0xFFFFFFFF  }
0xa7: {  	s28 =	simm.s32 $_size_execute0_lowered;
	s3 =	sadd.s32 s3, s5;
	[dreg:$0x0] =	wrdreg $0x0  }
0xa8: {  	s5 =	sshll.u32 s28, $0x1;
	[dreg:$0x2] =	wrdreg s3  }
0xa9: {  	[dreg:$0x3] =	wrdreg s5  }
0xaa: {  	[dreg:$0x4] =	wrdreg $0xC0  }
0xab: {  	_ =	task [dreg:s7], $0x5FFFF  }
0xac: {  	[dreg:$0x1] =	wrdreg $0xFFFFFFFF  }
0xad: {  	[dreg:$0x0] =	wrdreg $0x60  }
0xae: {  	[dreg:$0x2] =	wrdreg s2  }
0xaf: {  	[dreg:$0x3] =	wrdreg s24  }
0xb0: {  	[dreg:$0x4] =	wrdreg $0x61000  }
0xb1: {  	[dreg:$0x5] =	wrdreg $0x9  }
0xb2: {  	_ =	task.clear_ibuf [dreg:s7], $0x6FFFF;
	_ =	strace $0x9000004C  }
0xb3: {  	s29 =	simm.s32 $0x9;
	_ =	strace $0x8000004E  }
0xb4: {  	_ =	swait.ge [sflag:s29], $0x1  }
0xb5: {  	[sflag:s29] =	ssyncadd.s32 $0xFFFFFFFF  }
0xb6: {  	_ =	strace $0x9000004E  }
0xb7: {  	_ =	sfence  }
0xb8: {  	s30 =	sld [smem:$0x0];
	_ =	sdelay $0x2  }
0xb9: {  	s31 =	sshll.u32 s1, $0xD;
	s1 =	sshrl.u32 s1, $0x2  }
0xba: {  	s3 =	sand.u32 $0x4000, s31;
	s1 =	sadd.s32 s1, s30  }
0xbb: {  	s0 =	sor.u32 s3, s0;
	s1 =	sshll.u32 s1, $0x11  }
0xbc: {  	s0 =	sor.u32 s1, s0  }
0xbd: {  	s0 =	sadd.s32 $0x8F2B, s0  }
0xbe: {  	[sflag:s0] =	ssyncadd.remote.s32 $0x1  }
0xbf: {  	_ =	sfence.sel $0xFFFF  }
0xc0: {  	[dreg:$0x0] =	wrdreg $0xFFFFFFFF;
	(pc) =	sbr.abs _section_cstart, $3  }
0xc1: {  	[dreg:$0x1] =	wrdreg $0xFFFFFFFF  }
0xc2: {  	_ =	task.clear_ibuf [dreg:s7], $0x2FFFF;
	_ =	strace $0x9FFFFFFF  }
0xc3: {  	(tm) =	ssettm $0x7FFFFFFF  }
tec
execute0_lowered:
.L_overlay_start_1:
0x0: {  	(tag) =	ssettag $0x1  }
0x1: {  	s1 =	rddreg [dreg:$0x0]  }
0x2: {  	s5 =	rddreg [dreg:$0x1]  }
0x3: {  	s2 =	rddreg [dreg:$0x2];
	s3 =	simm.s32 $0x0;
	s0 =	stileid.u32  }
0x4: {  	s4 =	srdreg.scid;
	s20 =	simm.s32 $0x4100;
	s8 =	smul.u32 $0x50000, s0  }
0x5: {  	s21 =	simm.s32 $0x2;
	s22 =	simm.s32 $0x80;
	s10 =	smul.u32 $0x13C00, s0  }
0x6: {  	s23 =	simm.s32 $0x100;
	s28 =	simm.s32 $0x0;
	s29 =	smul.u32 $0x4F000, s0  }
0x7: {  	[smem:$0x7FF] =	sst s3;
	s6 =	sand.u32 $0x1, s4;
	s18 =	smul.u32 $0x4F0, s0  }
0x8: {  	s9 =	sadd.s32 $0xC400, s5;
	p0 =	seq.s32 s0, $0xF;
	s7 =	smul.u32 $0x4F00, s6  }
0x9: {  	_ =	strace $0x8000004D;
	s24 =	ssub.s32 $0x2, s6;
	s6 =	smul.u32 $0x138800, s6  }
0xa: {  	s25 =	sshrl.u32 s24, $0x1;
	s26 =	sshrl.u32 s8, $0x2;
	s17 =	sadd.s32 s7, s5  }
0xb: {  	s11 =	ssub.s32 s24, s25;
	s5 =	sadd.s32 s26, s2;
	s30 =	sadd.s32 s10, s6  }
0xc: {  	s6 =	sshrl.u32 s6, $0x3;
	s7 =	sshrl.u32 s29, $0x2;
	s24 =	sadd.s32 $0x128400, s2  }
0xd: {  	s26 =	simm.s32 $0x1;
	s8 =	sshrl.u32 s30, $0x3;
	s31 =	sadd.s32 s9, s6  }
0xe: {  	s25 =	sadd.s32 s7, s2;
	s10 =	sadd.s32 $0x4000, s5;
	s12 =	sadd.s32 $0x8000, s5  }
0xf: {  	s13 =	sadd.s32 $0xA000, s5;
	s14 =	sadd.s32 $0xC000, s5;
	s15 =	sadd.s32 $0xE000, s5  }
0x10: {  	s16 =	sadd.s32 $0x10000, s5;
	s19 =	sadd.s32 s18, s17;
	s17 =	sadd.s32 $0x12000, s5  }
0x11: {  	s24 =	sshrl.u32 @p0 s24, $0x3;
	s6 =	sadd.s32 s9, s8;
	s7 =	sadd.s32 $0x25080, s31  }
0x12: {  	s8 =	smax.u32 s11, $0x1;
	s9 =	sadd.s32 $0x2000, s5;
	s11 =	sadd.s32 $0x6000, s5  }
0x13: {  	v0 =	vimm.f32 $0.0e+00;
	s18 =	sadd.s32 $0x2600, s19;
	s19 =	sadd.s32 $0x5A600, s19;
	s25 =	sshrl.u32 @!p0 s25, $0x3  }
.LBB2_1:
0x14: {  	s29 =	sand.u32 $0x7E00, s3  }
0x15: {  	s30 =	sand.u32 $0x70, s3;
	s31 =	sshrl.u32 s29, $0x2  }
0x16: {  	s29 =	simm.s32 $0x40;
	s31 =	sor.u32 s30, s31;
	s30 =	simm.s32 $0x0  }
.LBB2_2:
0x17: {  	p1 =	sne.s32 s29, $0x7FC0  }
0x18: {  	[tilespmem:s31+$0x4100] =	vst v0;
	s30 =	sadd.s32 $0x10, s30;
	s31 =	smov.u32 s29;
	s29 =	sadd.s32 $0x40, s29  }
.Ltmp0:
0x19: {  	(pc) =	sbr.rel @p1 .LBB2_2-.Ltmp0, $4  }
0x1a: {  	_ = 	snop  }
0x1b: {  	s31 =	sand.u32 $0x7E00, s31  }
0x1c: {  	s0 =	sand.u32 $0x70, s30;
	s31 =	sshrl.u32 s31, $0x2  }
0x1d: {  	s31 =	sor.u32 s0, s31  }
0x1e: {  	[tilespmem:s31+$0x4100] =	vst v0  }
0x1f: {  	[spmem:s5] =	stream.linear.scatter [tilespmem:s20], [sflag:$0x2], $0x2000, $0x38;
	[tilespmem:$0x1A100] =	vst v63  }
0x20: {  	_ =	swait.ge [sflag:s21], $0x2000  }
0x21: {  	[sflag:s21] =	ssyncset.done $0x0  }
0x22: {  	[sflag:s21] =	ssyncadd.s32 $0xFFFFE000  }
0x23: {  	[spmem:s9] =	stream.linear.scatter [tilespmem:s20], [sflag:$0x2], $0x2000, $0x38;
	[tilespmem:$0x1A100] =	vst v63  }
0x24: {  	_ =	swait.ge [sflag:s21], $0x2000  }
0x25: {  	[sflag:s21] =	ssyncset.done $0x0  }
0x26: {  	[sflag:s21] =	ssyncadd.s32 $0xFFFFE000  }
0x27: {  	[spmem:s10] =	stream.linear.scatter [tilespmem:s20], [sflag:$0x2], $0x2000, $0x38;
	[tilespmem:$0x1A100] =	vst v63  }
0x28: {  	_ =	swait.ge [sflag:s21], $0x2000  }
0x29: {  	[sflag:s21] =	ssyncset.done $0x0  }
0x2a: {  	[sflag:s21] =	ssyncadd.s32 $0xFFFFE000  }
0x2b: {  	[spmem:s11] =	stream.linear.scatter [tilespmem:s20], [sflag:$0x2], $0x2000, $0x38;
	[tilespmem:$0x1A100] =	vst v63  }
0x2c: {  	_ =	swait.ge [sflag:s21], $0x2000  }
0x2d: {  	[sflag:s21] =	ssyncset.done $0x0  }
0x2e: {  	[sflag:s21] =	ssyncadd.s32 $0xFFFFE000  }
0x2f: {  	[spmem:s12] =	stream.linear.scatter [tilespmem:s20], [sflag:$0x2], $0x2000, $0x38;
	[tilespmem:$0x1A100] =	vst v63  }
0x30: {  	_ =	swait.ge [sflag:s21], $0x2000  }
0x31: {  	[sflag:s21] =	ssyncset.done $0x0  }
0x32: {  	[sflag:s21] =	ssyncadd.s32 $0xFFFFE000  }
0x33: {  	[spmem:s13] =	stream.linear.scatter [tilespmem:s20], [sflag:$0x2], $0x2000, $0x38;
	[tilespmem:$0x1A100] =	vst v63  }
0x34: {  	_ =	swait.ge [sflag:s21], $0x2000  }
0x35: {  	[sflag:s21] =	ssyncset.done $0x0  }
0x36: {  	[sflag:s21] =	ssyncadd.s32 $0xFFFFE000  }
0x37: {  	[spmem:s14] =	stream.linear.scatter [tilespmem:s20], [sflag:$0x2], $0x2000, $0x38;
	[tilespmem:$0x1A100] =	vst v63  }
0x38: {  	_ =	swait.ge [sflag:s21], $0x2000  }
0x39: {  	[sflag:s21] =	ssyncset.done $0x0  }
0x3a: {  	[sflag:s21] =	ssyncadd.s32 $0xFFFFE000  }
0x3b: {  	[spmem:s15] =	stream.linear.scatter [tilespmem:s20], [sflag:$0x2], $0x2000, $0x38;
	[tilespmem:$0x1A100] =	vst v63  }
0x3c: {  	_ =	swait.ge [sflag:s21], $0x2000  }
0x3d: {  	[sflag:s21] =	ssyncset.done $0x0  }
0x3e: {  	[sflag:s21] =	ssyncadd.s32 $0xFFFFE000  }
0x3f: {  	[spmem:s16] =	stream.linear.scatter [tilespmem:s20], [sflag:$0x2], $0x2000, $0x38;
	[tilespmem:$0x1A100] =	vst v63  }
0x40: {  	_ =	swait.ge [sflag:s21], $0x2000  }
0x41: {  	[sflag:s21] =	ssyncset.done $0x0  }
0x42: {  	[sflag:s21] =	ssyncadd.s32 $0xFFFFE000  }
0x43: {  	[spmem:s17] =	stream.linear.scatter [tilespmem:s20], [sflag:$0x2], $0x2000, $0x38;
	[tilespmem:$0x1A100] =	vst v63  }
0x44: {  	_ =	swait.ge [sflag:s21], $0x2000  }
0x45: {  	[sflag:s21] =	ssyncset.done $0x0  }
0x46: {  	[sflag:s21] =	ssyncadd.s32 $0xFFFFE000  }
0x47: {  	s0 =	sadd.s32 $0x0, s19;
	[bflag:$0x0] =	sbarrier.arrive $0xFFFF  }
0x48: {  	[tilespmem:s3], [sflag:$0x2] =	stream.linear.gather [hbm4b:s0+s3], $0x80, $0x38;
	[tilespmem:$0x1A100] =	vst v63  }
0x49: {  	_ =	swait.ge [sflag:s21], $0x80  }
0x4a: {  	[sflag:s21] =	ssyncset.done $0x0  }
0x4b: {  	s31 =	sadd.s32 $0x0, s18;
	[sflag:s21] =	ssyncadd.s32 $0xFFFFFF80  }
0x4c: {  	[tilespmem:s22], [sflag:$0x2] =	stream.linear.gather [hbm4b:s31+s3], $0x80, $0x38;
	[tilespmem:$0x1A100] =	vst v63  }
0x4d: {  	_ =	swait.ge [sflag:s21], $0x80  }
0x4e: {  	[sflag:s21] =	ssyncset.done $0x0  }
0x4f: {  	[sflag:s21] =	ssyncadd.s32 $0xFFFFFF80  }
0x50: {  	[tilespmem:s23], [sflag:$0x1] =	stream.indirect.gather [hbm4b:s1+s22], $0x80, s3, s22, $0xb8;
	[tilespmem:$0x1A100] =	vst v63  }
0x51: {  	_ =	swait.ge [sflag:s26], $0x4000  }
0x52: {  	[sflag:s26] =	ssyncset.done $0x0  }
0x53: {  	[sflag:s26] =	ssyncadd.s32 $0xFFFFC000  }
0x54: {  	[spmem:s2] =	stream.indirect.scatter.add.f32 [tilespmem:s23], [sflag:$0x2], $0x80, s22, s22, $0xb8;
	[tilespmem:$0x1A100] =	vst v63  }
0x55: {  	_ =	swait.ge [sflag:s21], $0x4000  }
0x56: {  	s29 =	simm.s32 $0x10;
	s30 =	simm.s32 $0x20;
	[sflag:s21] =	ssyncset.done $0x0  }
.LBB2_4:
0x57: {  	s0 =	sadd.s32 s29, s19  }
0x58: {  	[sflag:s21] =	ssyncadd.s32 $0xFFFFC000;
	s31 =	smov.u32 s30;
	s4 =	sadd.s32 $0x10, s30  }
0x59: {  	[tilespmem:s3], [sflag:$0x2] =	stream.linear.gather [hbm4b:s0+s3], $0x80, $0x38;
	[tilespmem:$0x1A100] =	vst v63  }
0x5a: {  	p1 =	sne.s32 s30, $0x4E0;
	_ =	swait.ge [sflag:s21], $0x80  }
0x5b: {  	[sflag:s21] =	ssyncset.done $0x0  }
0x5c: {  	s0 =	sadd.s32 s29, s18;
	s29 =	smov.u32 s31;
	[sflag:s21] =	ssyncadd.s32 $0xFFFFFF80  }
0x5d: {  	[tilespmem:s22], [sflag:$0x2] =	stream.linear.gather [hbm4b:s0+s3], $0x80, $0x38;
	[tilespmem:$0x1A100] =	vst v63  }
0x5e: {  	_ =	swait.ge [sflag:s21], $0x80  }
0x5f: {  	[sflag:s21] =	ssyncset.done $0x0  }
0x60: {  	[sflag:s21] =	ssyncadd.s32 $0xFFFFFF80  }
0x61: {  	[tilespmem:s23], [sflag:$0x1] =	stream.indirect.gather [hbm4b:s1+s22], $0x80, s3, s22, $0xb8;
	[tilespmem:$0x1A100] =	vst v63  }
0x62: {  	_ =	swait.ge [sflag:s26], $0x4000  }
.Ltmp1:
0x63: {  	[sflag:s26] =	ssyncset.done $0x0;
	(pc) =	sbr.rel @p1 .LBB2_4-.Ltmp1, $4  }
0x64: {  	[sflag:s26] =	ssyncadd.s32 $0xFFFFC000  }
0x65: {  	[spmem:s2] =	stream.indirect.scatter.add.f32 [tilespmem:s23], [sflag:$0x2], $0x80, s22, s22, $0xb8;
	[tilespmem:$0x1A100] =	vst v63  }
0x66: {  	_ =	swait.ge [sflag:s21], $0x4000  }
0x67: {  	s30 =	smov.u32 s4;
	[sflag:s21] =	ssyncset.done $0x0  }
0x68: {  	s0 =	sadd.s32 s29, s19;
	[sflag:s21] =	ssyncadd.s32 $0xFFFFC000  }
0x69: {  	[tilespmem:s3], [sflag:$0x2] =	stream.linear.gather [hbm4b:s0+s3], $0x80, $0x38;
	[tilespmem:$0x1A100] =	vst v63  }
0x6a: {  	_ =	swait.ge [sflag:s21], $0x80  }
0x6b: {  	[sflag:s21] =	ssyncset.done $0x0  }
0x6c: {  	s31 =	sadd.s32 s29, s18;
	[sflag:s21] =	ssyncadd.s32 $0xFFFFFF80  }
0x6d: {  	[tilespmem:s22], [sflag:$0x2] =	stream.linear.gather [hbm4b:s31+s3], $0x80, $0x38;
	[tilespmem:$0x1A100] =	vst v63  }
0x6e: {  	_ =	swait.ge [sflag:s21], $0x80  }
0x6f: {  	[sflag:s21] =	ssyncset.done $0x0  }
0x70: {  	[sflag:s21] =	ssyncadd.s32 $0xFFFFFF80  }
0x71: {  	[tilespmem:s23], [sflag:$0x1] =	stream.indirect.gather [hbm4b:s1+s22], $0x80, s3, s22, $0xb8;
	[tilespmem:$0x1A100] =	vst v63  }
0x72: {  	_ =	swait.ge [sflag:s26], $0x4000  }
0x73: {  	[sflag:s26] =	ssyncset.done $0x0  }
0x74: {  	[sflag:s26] =	ssyncadd.s32 $0xFFFFC000  }
0x75: {  	[spmem:s2] =	stream.indirect.scatter.add.f32 [tilespmem:s23], [sflag:$0x2], $0x80, s22, s22, $0xb8;
	[tilespmem:$0x1A100] =	vst v63  }
0x76: {  	_ =	swait.ge [sflag:s21], $0x4000  }
0x77: {  	[sflag:s21] =	ssyncset.done $0x0  }
0x78: {  	[sflag:s21] =	ssyncadd.s32 $0xFFFFC000  }
0x79: {  	s0 =	simm.s32 @p0 $0x1FC2;
	[bflag:$0x0] =	sbarrier.arrive $0xFFFF  }
0x7a: {  	[hbm:s7], [sflag:s0] =	dma.local @p0 [spmem:s24], $0x2080  }
0x7b: {  	s0 =	simm.s32 @p0 $0x2  }
0x7c: {  	s4 =	stileid.u32;
	_ =	swait.ge @p0 [sflag:s0], $0x2080  }
0x7d: {  	s28 =	sadd.s32 $0x1, s28;
	s4 =	sshll.u32 @!p0 s4, $0x6;
	[sflag:s0] =	ssyncset.done @p0 $0x0  }
0x7e: {  	p1 =	sne.s32 s28, s8;
	[sflag:s0] =	ssyncadd.s32 @p0 $0xFFFFDF80;
	s0 =	sor.u32 @!p0 $0x1C02, s4  }
0x7f: {  	[hbm:s6], [sflag:s0] =	dma.local @!p0 [spmem:s25], $0x2780  }
.Ltmp2:
0x80: {  	_ = 	snop;
	(pc) =	sbr.rel @p1 .LBB2_1-.Ltmp2, $4  }
0x81: {  	s0 =	simm.s32 @!p0 $0x2  }
0x82: {  	_ =	swait.ge @!p0 [sflag:s0], $0x2780  }
0x83: {  	[sflag:s0] =	ssyncset.done @!p0 $0x0  }
0x84: {  	[sflag:s0] =	ssyncadd.s32 @!p0 $0xFFFFD880  }
0x85: {  	_ =	sfence.sel $0x180000  }
0x86: {  	[bflag:$0x0] =	sbarrier.arrive $0xFFFF  }
0x87: {  	_ =	strace $0x9000004D  }
0x88: {  	s0 =	stileid.u32;
	[bflag:$0x2] =	sbarrier.arrive $0xFFFF  }
0x89: {  	p0 =	sne.s32 s0, $0x0;
	s0 =	rddreg [dreg:$0x3]  }
0x8a: {  	s0 =	sadd.s32 @!p0 $0x100000, s0  }
0x8b: {  	[sflag:s0] =	ssyncadd.tile.s32 @!p0 $0x1;
	_ =	shalt  }
.Lfunc_end2:
_tile_overlayer_lowered:
.L_overlay_start_2:
0x8c: {  	(tag) =	ssettag $0x2  }
0x8d: {  	s0 =	rddreg [dreg:$0x0];
	s2 =	stileid.u32  }
0x8e: {  	s1 =	rddreg [dreg:$0x1];
	p0 =	sne.s32 s2, $0x0  }
0x8f: {  	s3 =	rddreg [dreg:$0x2];
	[bflag:$0x3] =	sbarrier.arrive $0xFFFF;
	s2 =	simm.s32 @!p0 $0x1C02  }
0x90: {  	[timem:s3], [sflag:s2] =	dma.local @!p0 [hbm:s0], s1  }
0x91: {  	s0 =	simm.s32 @!p0 $0x2  }
0x92: {  	_ =	swait.ge @!p0 [sflag:s0], s1  }
0x93: {  	s1 =	ssub.s32 @!p0 $0x0, s1;
	[sflag:s0] =	ssyncset.done @!p0 $0x0  }
0x94: {  	[sflag:s0] =	ssyncadd.s32 @!p0 s1  }
0x95: {  	[bflag:$0x3] =	sbarrier.arrive $0xFFFF  }
0x96: {  	_ =	shalt  }

// kernel: kernel.8.cloned.1.call-start
scs
__scs_entry_jumppad:
0x0: {  	(pc) =	sbr.rel $0x88, $3  }
0x1: {  	(tag) =	ssettag $0x0;
	lr =	simm.s32 $0x1  }
0x2: {  	[smem:$0x3F97] =	sst lr;
	_ =	strace $0xD0000000  }
0x3: {  	_ = 	snop  }
0x4: {  	_ = 	snop  }
0x5: {  	_ = 	snop  }
0x6: {  	_ = 	snop  }
0x7: {  	_ = 	snop  }
__scs_overlays_trampoline_lowered:
0x8: {  	[smem:$0x3FA6] =	sst s0  }
0x9: {  	[smem:$0x3FA7] =	sst s1  }
0xa: {  	[smem:$0x3FA8] =	sst s2  }
0xb: {  	[smem:$0x3FA9] =	sst s3  }
0xc: {  	[smem:$0x3FAA] =	sst s4  }
0xd: {  	[smem:$0x3FAB] =	sst s5  }
0xe: {  	[smem:$0x3FAC] =	sst s6  }
0xf: {  	[smem:$0x3FAD] =	sst s7  }
0x10: {  	[smem:$0x3FAE] =	sst s8  }
0x11: {  	[smem:$0x3FAF] =	sst s9;
	s0 =	simm.s32 @!p0 $0x0  }
0x12: {  	s1 =	sld [smem:$0x3F95];
	s0 =	simm.s32 @p0 $0x1  }
0x13: {  	[smem:$0x3FB0] =	sst s0;
	s0 =	simm.s32 @!p1 $0x0  }
0x14: {  	s2 =	sld [smem:$0x3F94];
	s0 =	simm.s32 @p1 $0x1  }
0x15: {  	[smem:$0x3FB1] =	sst s0;
	s0 =	simm.s32 @!p2 $0x0  }
0x16: {  	s3 =	sld [smem:$0x3FDB];
	s0 =	simm.s32 @p2 $0x1  }
0x17: {  	s4 =	simm.s32 $0x1BF5;
	[smem:$0x3FB3] =	sst s0  }
0x18: {  	s0 =	sld [smem:$0x3F96];
	_ =	swait.ge [sflag:s4], $0x0  }
0x19: {  	s7 =	sld [smem:$0x3F97]  }
0x1a: {  	s8 =	sadd.s32 $0xFFFFE003, lr  }
0x1b: {  	s9 =	sadd.s32 $0xFFFFFEF7, lr;
	s5 =	simm.s32 $0xFFFFFFFF;
	p2 =	slt.u32 s8, $0xFFFFF086  }
0x1c: {  	p1 =	slt.u32 s9, $0xF7A;
	s5 =	simm.s32 @!p2 $0x0  }
0x1d: {  	s5 =	simm.s32 @p1 $0x1;
	p0 =	seq.s32 s7, s2  }
0x1e: {  	s7 =	smul.u32 @!p0 $0xF7A, s2;
	p2 =	seq.s32 @!p0 s5, $0x0  }
0x1f: {  	s9 =	smul.u32 $0xF7A, s1;
	s8 =	simm.s32 @!p0 $0x1BF5;
	p2 =	por !p2, p0  }
0x20: {  	[sflag:s8] =	ssyncset.s32 @!p0 $0xFFFFF086;
	s6 =	sadd.s32 @!p0 s3, s7;
	s7 =	simm.s32 @!p0 $0x108  }
0x21: {  	s3 =	sadd.s32 s3, s9;
	s6 =	sadd.s32 @!p0 $0x88, s6;
	s7 =	simm.s32 @p2 $0x1082  }
0x22: {  	[simem:s7], [sflag:s8] =	dma.local @!p0 [hbm:s6], $0xF7A  }
0x23: {  	s9 =	sor.u32 $0xD0000000, s2;
	s6 =	simm.s32 $0x108;
	_ =	swait.ge @!p0 [sflag:s8], $0x0  }
0x24: {  	s3 =	sadd.s32 $0x88, s3;
	s6 =	simm.s32 @!p1 $0x1082;
	[sflag:s4] =	ssyncset.s32 $0xFFFFF086  }
0x25: {  	[simem:s6], [sflag:s4] =	dma.local [hbm:s3], $0xF7A  }
0x26: {  	[smem:$0x3F97] =	sst s1;
	(tag) =	ssettag s2;
	_ =	strace s9  }
0x27: {  	s1 =	sld [smem:$0x3FA7]  }
0x28: {  	s2 =	sld [smem:$0x3FA8]  }
0x29: {  	s4 =	sld [smem:$0x3FAA]  }
0x2a: {  	p0 =	seq.s32 s5, $0x0;
	s5 =	sld [smem:$0x3FAB]  }
0x2b: {  	s6 =	sld [smem:$0x3FAC]  }
0x2c: {  	s7 =	sld [smem:$0x3FAD]  }
0x2d: {  	s3 =	simm.s32 $0x108;
	s8 =	sld [smem:$0x3FAE]  }
0x2e: {  	s3 =	simm.s32 @!p0 $0x1082;
	s9 =	sld [smem:$0x3FAF]  }
0x2f: {  	lr =	sadd.s32 s0, s3;
	s0 =	sld [smem:$0x3FA6]  }
0x30: {  	s3 =	sld [smem:$0x3FA9]  }
0x31: {  	[smem:$0x3FB2] =	sst s10  }
0x32: {  	s10 =	sld [smem:$0x3FB0];
	_ =	sdelay $0x3  }
0x33: {  	p0 =	seq.s32 s10, $0x1;
	s10 =	sld [smem:$0x3FB2];
	_ =	sdelay $0x3  }
0x34: {  	[smem:$0x3FB2] =	sst s10  }
0x35: {  	s10 =	sld [smem:$0x3FB1];
	_ =	sdelay $0x3  }
0x36: {  	p1 =	seq.s32 s10, $0x1;
	s10 =	sld [smem:$0x3FB2];
	_ =	sdelay $0x3  }
0x37: {  	[smem:$0x3FB2] =	sst s10  }
0x38: {  	s10 =	sld [smem:$0x3FB3]  }
0x39: {  	_ = 	snop;
	(pc) =	sbr.ind lr, $3  }
0x3a: {  	_ = 	snop  }
0x3b: {  	_ = 	snop  }
0x3c: {  	p2 =	seq.s32 s10, $0x1;
	s10 =	sld [smem:$0x3FB2]  }
0x3d: {  	_ =	shalt  }
0x3e: {  	_ =	shalt  }
0x3f: {  	_ =	shalt  }
0x40: {  	_ =	shalt  }
0x41: {  	_ =	shalt  }
0x42: {  	_ =	shalt  }
0x43: {  	_ =	shalt  }
0x44: {  	_ =	shalt  }
0x45: {  	_ =	shalt  }
0x46: {  	_ =	shalt  }
0x47: {  	_ =	shalt  }
0x48: {  	_ =	shalt  }
0x49: {  	_ =	shalt  }
0x4a: {  	_ =	shalt  }
0x4b: {  	_ =	shalt  }
0x4c: {  	_ =	shalt  }
0x4d: {  	_ =	shalt  }
0x4e: {  	_ =	shalt  }
0x4f: {  	_ =	shalt  }
0x50: {  	_ =	shalt  }
0x51: {  	_ =	shalt  }
0x52: {  	_ =	shalt  }
0x53: {  	_ =	shalt  }
0x54: {  	_ =	shalt  }
0x55: {  	_ =	shalt  }
0x56: {  	_ =	shalt  }
0x57: {  	_ =	shalt  }
0x58: {  	_ =	shalt  }
0x59: {  	_ =	shalt  }
0x5a: {  	_ =	shalt  }
0x5b: {  	_ =	shalt  }
0x5c: {  	_ =	shalt  }
0x5d: {  	_ =	shalt  }
0x5e: {  	_ =	shalt  }
0x5f: {  	_ =	shalt  }
0x60: {  	_ =	shalt  }
0x61: {  	_ =	shalt  }
0x62: {  	_ =	shalt  }
0x63: {  	_ =	shalt  }
0x64: {  	_ =	shalt  }
0x65: {  	_ =	shalt  }
0x66: {  	_ =	shalt  }
0x67: {  	_ =	shalt  }
0x68: {  	_ =	shalt  }
0x69: {  	_ =	shalt  }
0x6a: {  	_ =	shalt  }
0x6b: {  	_ =	shalt  }
0x6c: {  	_ =	shalt  }
0x6d: {  	_ =	shalt  }
0x6e: {  	_ =	shalt  }
0x6f: {  	_ =	shalt  }
0x70: {  	_ =	shalt  }
0x71: {  	_ =	shalt  }
0x72: {  	_ =	shalt  }
0x73: {  	_ =	shalt  }
0x74: {  	_ =	shalt  }
0x75: {  	_ =	shalt  }
0x76: {  	_ =	shalt  }
0x77: {  	_ =	shalt  }
0x78: {  	_ =	shalt  }
0x79: {  	_ =	shalt  }
0x7a: {  	_ =	shalt  }
0x7b: {  	_ =	shalt  }
0x7c: {  	_ =	shalt  }
0x7d: {  	_ =	shalt  }
0x7e: {  	_ =	shalt  }
0x7f: {  	_ =	shalt  }
0x80: {  	_ =	shalt  }
0x81: {  	_ =	shalt  }
0x82: {  	_ =	shalt  }
0x83: {  	_ =	shalt  }
0x84: {  	_ =	shalt  }
0x85: {  	_ =	shalt  }
0x86: {  	_ =	shalt  }
0x87: {  	_ =	shalt  }
.Lfunc_end0:
.L_simem_size_0:
called_computation_lowered:
.L_overlay_start_0:
0x88: {  	s2 =	sld [smem:$0x3FD9]  }
0x89: {  	s3 =	sld [smem:$0x3FFE];
	_ =	sdelay $0x1  }
0x8a: {  	s1 =	srdreg.scid  }
0x8b: {  	s0 =	sand.u32 $0x1, s1  }
0x8c: {  	s16 =	sshll.u32 s0, $0xA;
	s2 =	sadd.s32 s3, s2  }
0x8d: {  	s2 =	sadd.s32 s2, s16  }
0x8e: {  	[smem:$0x3FBE] =	sst s2  }
0x8f: {  	_ = 	snop  }
0x90: {  	(tm) =	ssettm $0x1  }
0x91: {  	s17 =	sld [smem:$0x3FFB];
	_ =	sdelay $0x3  }
0x92: {  	_ =	strace s17  }
0x93: {  	s2 =	sld [smem:$0x3FFC];
	_ =	sdelay $0x3  }
0x94: {  	_ =	strace s2  }
0x95: {  	s2 =	sld [smem:$0x3FFD];
	_ =	sdelay $0x3  }
0x96: {  	_ =	strace s2  }
0x97: {  	_ =	strace $0x8FFFFFFF  }
0x98: {  	s18 =	sld [smem:$0x3FDB];
	_ =	sdelay $0x1  }
0x99: {  	s19 =	simm.s32 $_scs_section_size  }
0x9a: {  	s4 =	simm.s32 $_size__tile_overlayer_lowered;
	s5 =	simm.s32 $_tile_overlayer_lowered  }
0x9b: {  	s22 =	simm.s32 $0x1BFF;
	s21 =	sshll.u32 s5, $0x1;
	s2 =	sadd.s32 s19, s18  }
0x9c: {  	s6 =	simm.s32 $0x0;
	s20 =	sshll.u32 s4, $0x1;
	s4 =	sadd.s32 s21, s2  }
0x9d: {  	[timem:s6], [sflag:s22] =	dma.local [hbm:s4], s20  }
0x9e: {  	_ =	swait.ge [sflag:s22], s20  }
0x9f: {  	s3 =	ssub.s32 $0x0, s20;
	[sflag:s22] =	ssyncset.done $0x0  }
0xa0: {  	[sflag:s22] =	ssyncadd.s32 s3;
	_ =	sdelay $0x1  }
0xa1: {  	s23 =	simm.s32 $0x1B8B  }
0xa2: {  	_ =	swait.ge [sflag:s23], $0x1  }
0xa3: {  	[sflag:s23] =	ssyncset.done $0x0  }
0xa4: {  	s25 =	simm.s32 $0x1B8E;
	s24 =	sld [smem:$0x3FFE];
	[sflag:s23] =	ssyncadd.s32 $0xFFFFFFFF  }
0xa5: {  	s26 =	simm.s32 $execute0_lowered;
	[smem:$0x3FD2] =	sst s25  }
0xa6: {  	s4 =	sshll.u32 s26, $0x1;
	_ =	strace $0x80000046;
	[dreg:$0x1] =	wrdreg $0xFFFFFFFF  }
0xa7: {  	s28 =	simm.s32 $_size_execute0_lowered;
	s2 =	sadd.s32 s2, s4;
	[dreg:$0x0] =	wrdreg $0x0  }
0xa8: {  	s4 =	sshll.u32 s28, $0x1;
	[dreg:$0x2] =	wrdreg s2  }
0xa9: {  	[dreg:$0x3] =	wrdreg s4  }
0xaa: {  	[dreg:$0x4] =	wrdreg $0xC0  }
0xab: {  	_ =	task [dreg:s6], $0x5FFFF  }
0xac: {  	[dreg:$0x1] =	wrdreg $0xFFFFFFFF  }
0xad: {  	[dreg:$0x0] =	wrdreg $0x60  }
0xae: {  	[dreg:$0x2] =	wrdreg s24  }
0xaf: {  	[dreg:$0x3] =	wrdreg $0x60800  }
0xb0: {  	[dreg:$0x4] =	wrdreg $0x9  }
0xb1: {  	_ =	task.clear_ibuf [dreg:s6], $0x5FFFF;
	_ =	strace $0x90000046  }
0xb2: {  	s29 =	simm.s32 $0x9;
	_ =	strace $0x80000048  }
0xb3: {  	_ =	swait.ge [sflag:s29], $0x1  }
0xb4: {  	[sflag:s29] =	ssyncadd.s32 $0xFFFFFFFF  }
0xb5: {  	_ =	strace $0x90000048  }
0xb6: {  	_ =	sfence  }
0xb7: {  	s30 =	sld [smem:$0x0];
	_ =	sdelay $0x2  }
0xb8: {  	s31 =	sshll.u32 s1, $0xD;
	s1 =	sshrl.u32 s1, $0x2  }
0xb9: {  	s3 =	sand.u32 $0x4000, s31;
	s1 =	sadd.s32 s1, s30  }
0xba: {  	s0 =	sor.u32 s3, s0;
	s1 =	sshll.u32 s1, $0x11  }
0xbb: {  	s0 =	sor.u32 s1, s0  }
0xbc: {  	s0 =	sadd.s32 $0x8F2B, s0  }
0xbd: {  	[sflag:s0] =	ssyncadd.remote.s32 $0x1  }
0xbe: {  	_ =	sfence.sel $0xFFFF  }
0xbf: {  	[dreg:$0x0] =	wrdreg $0xFFFFFFFF;
	(pc) =	sbr.abs _section_cstart, $3  }
0xc0: {  	[dreg:$0x1] =	wrdreg $0xFFFFFFFF  }
0xc1: {  	_ =	task.clear_ibuf [dreg:s6], $0x2FFFF;
	_ =	strace $0x9FFFFFFF  }
0xc2: {  	(tm) =	ssettm $0x7FFFFFFF  }
0xc3: {  	_ =	shalt  }
tec
execute0_lowered:
.L_overlay_start_1:
0x0: {  	(tag) =	ssettag $0x1  }
0x1: {  	s4 =	rddreg [dreg:$0x0]  }
0x2: {  	s1 =	rddreg [dreg:$0x1];
	s3 =	srdreg.scid  }
0x3: {  	s0 =	rddreg [dreg:$0x2];
	s5 =	sand.u32 $0x1, s3  }
0x4: {  	s2 =	simm.s32 $0x0;
	s3 =	stileid.u32;
	s6 =	smul.u32 $0x4F00, s5  }
0x5: {  	s18 =	simm.s32 $0x4080;
	s19 =	simm.s32 $0x1;
	s7 =	smul.u32 $0x50000, s3  }
0x6: {  	s20 =	simm.s32 $0x80;
	s25 =	ssub.s32 $0x2, s5;
	s5 =	smul.u32 $0x138800, s5  }
0x7: {  	s23 =	simm.s32 $0x0;
	[smem:$0x7FF] =	sst s2;
	s9 =	smul.u32 $0x13C00, s3  }
0x8: {  	s8 =	sadd.s32 $0xC400, s4;
	s21 =	sadd.s32 $0x128400, s1;
	s29 =	smul.u32 $0x4F000, s3  }
0x9: {  	_ =	strace $0x80000047;
	s17 =	smul.u32 $0x4F0, s3;
	p0 =	seq.s32 s3, $0xF  }
0xa: {  	s26 =	sshrl.u32 s25, $0x1;
	s21 =	sshrl.u32 @p0 s21, $0x3;
	s16 =	sadd.s32 s6, s4  }
0xb: {  	s10 =	ssub.s32 s25, s26;
	s28 =	sshrl.u32 s7, $0x2;
	s30 =	sadd.s32 s9, s5  }
0xc: {  	s5 =	sshrl.u32 s5, $0x3;
	s6 =	sshrl.u32 s29, $0x2;
	s4 =	sadd.s32 s28, s1  }
0xd: {  	s7 =	sshrl.u32 s30, $0x3;
	s31 =	sadd.s32 s8, s5;
	s22 =	sadd.s32 s6, s1  }
0xe: {  	s17 =	sadd.s32 s17, s16;
	s5 =	sadd.s32 s8, s7;
	s6 =	sadd.s32 $0x25080, s31  }
0xf: {  	s7 =	smax.u32 s10, $0x1;
	s8 =	sadd.s32 $0x2000, s4;
	s9 =	sadd.s32 $0x4000, s4  }
0x10: {  	s10 =	sadd.s32 $0x6000, s4;
	s11 =	sadd.s32 $0x8000, s4;
	s12 =	sadd.s32 $0xA000, s4  }
0x11: {  	s13 =	sadd.s32 $0xC000, s4;
	s14 =	sadd.s32 $0xE000, s4;
	s15 =	sadd.s32 $0x10000, s4  }
0x12: {  	v0 =	vimm.f32 $1.000000000e+00;
	v1 =	vimm.f32 $0.0e+00;
	s16 =	sadd.s32 $0x12000, s4;
	s17 =	sadd.s32 $0x2600, s17;
	s22 =	sshrl.u32 @!p0 s22, $0x3  }
.LBB2_1:
0x13: {  	s24 =	simm.s32 $0x0  }
.LBB2_2:
0x14: {  	p1 =	sne.s32 s24, $0xFE00  }
.Ltmp0:
0x15: {  	_ = 	snop;
	(pc) =	sbr.rel @p1 .LBB2_2-.Ltmp0, $3  }
0x16: {  	_ =	sdelay $0x1  }
0x17: {  	s25 =	sshra.s32 s24, $0x2  }
0x18: {  	s24 =	sadd.s32 $0x200, s24;
	[tilespmem:s25+$0x80] =	vst v0  }
0x19: {  	s24 =	simm.s32 $0x200;
	s25 =	simm.s32 $0x0  }
.LBB2_4:
0x1a: {  	p1 =	sne.s32 s24, $0x7E00;
	[tilespmem:s25+$0x4080] =	vst v1;
	s25 =	smov.u32 s24;
	s24 =	sadd.s32 $0x200, s24  }
.Ltmp1:
0x1b: {  	(pc) =	sbr.rel @p1 .LBB2_4-.Ltmp1, $2  }
0x1c: {  	_ =	sdelay $0x2  }
0x1d: {  	s25 =	sshra.s32 s25, $0x2  }
0x1e: {  	[tilespmem:s25+$0x4080] =	vst v1  }
0x1f: {  	[spmem:s4] =	stream.linear.scatter [tilespmem:s18], [sflag:$0x1], $0x2000, $0x38;
	[tilespmem:$0x8880] =	vst v63  }
0x20: {  	_ =	swait.ge [sflag:s19], $0x2000  }
0x21: {  	[sflag:s19] =	ssyncset.done $0x0  }
0x22: {  	[sflag:s19] =	ssyncadd.s32 $0xFFFFE000  }
0x23: {  	[spmem:s8] =	stream.linear.scatter [tilespmem:s18], [sflag:$0x1], $0x2000, $0x38;
	[tilespmem:$0x8880] =	vst v63  }
0x24: {  	_ =	swait.ge [sflag:s19], $0x2000  }
0x25: {  	[sflag:s19] =	ssyncset.done $0x0  }
0x26: {  	[sflag:s19] =	ssyncadd.s32 $0xFFFFE000  }
0x27: {  	[spmem:s9] =	stream.linear.scatter [tilespmem:s18], [sflag:$0x1], $0x2000, $0x38;
	[tilespmem:$0x8880] =	vst v63  }
0x28: {  	_ =	swait.ge [sflag:s19], $0x2000  }
0x29: {  	[sflag:s19] =	ssyncset.done $0x0  }
0x2a: {  	[sflag:s19] =	ssyncadd.s32 $0xFFFFE000  }
0x2b: {  	[spmem:s10] =	stream.linear.scatter [tilespmem:s18], [sflag:$0x1], $0x2000, $0x38;
	[tilespmem:$0x8880] =	vst v63  }
0x2c: {  	_ =	swait.ge [sflag:s19], $0x2000  }
0x2d: {  	[sflag:s19] =	ssyncset.done $0x0  }
0x2e: {  	[sflag:s19] =	ssyncadd.s32 $0xFFFFE000  }
0x2f: {  	[spmem:s11] =	stream.linear.scatter [tilespmem:s18], [sflag:$0x1], $0x2000, $0x38;
	[tilespmem:$0x8880] =	vst v63  }
0x30: {  	_ =	swait.ge [sflag:s19], $0x2000  }
0x31: {  	[sflag:s19] =	ssyncset.done $0x0  }
0x32: {  	[sflag:s19] =	ssyncadd.s32 $0xFFFFE000  }
0x33: {  	[spmem:s12] =	stream.linear.scatter [tilespmem:s18], [sflag:$0x1], $0x2000, $0x38;
	[tilespmem:$0x8880] =	vst v63  }
0x34: {  	_ =	swait.ge [sflag:s19], $0x2000  }
0x35: {  	[sflag:s19] =	ssyncset.done $0x0  }
0x36: {  	[sflag:s19] =	ssyncadd.s32 $0xFFFFE000  }
0x37: {  	[spmem:s13] =	stream.linear.scatter [tilespmem:s18], [sflag:$0x1], $0x2000, $0x38;
	[tilespmem:$0x8880] =	vst v63  }
0x38: {  	_ =	swait.ge [sflag:s19], $0x2000  }
0x39: {  	[sflag:s19] =	ssyncset.done $0x0  }
0x3a: {  	[sflag:s19] =	ssyncadd.s32 $0xFFFFE000  }
0x3b: {  	[spmem:s14] =	stream.linear.scatter [tilespmem:s18], [sflag:$0x1], $0x2000, $0x38;
	[tilespmem:$0x8880] =	vst v63  }
0x3c: {  	_ =	swait.ge [sflag:s19], $0x2000  }
0x3d: {  	[sflag:s19] =	ssyncset.done $0x0  }
0x3e: {  	[sflag:s19] =	ssyncadd.s32 $0xFFFFE000  }
0x3f: {  	[spmem:s15] =	stream.linear.scatter [tilespmem:s18], [sflag:$0x1], $0x2000, $0x38;
	[tilespmem:$0x8880] =	vst v63  }
0x40: {  	_ =	swait.ge [sflag:s19], $0x2000  }
0x41: {  	[sflag:s19] =	ssyncset.done $0x0  }
0x42: {  	[sflag:s19] =	ssyncadd.s32 $0xFFFFE000  }
0x43: {  	[spmem:s16] =	stream.linear.scatter [tilespmem:s18], [sflag:$0x1], $0x2000, $0x38;
	[tilespmem:$0x8880] =	vst v63  }
0x44: {  	_ =	swait.ge [sflag:s19], $0x2000  }
0x45: {  	[sflag:s19] =	ssyncset.done $0x0  }
0x46: {  	[sflag:s19] =	ssyncadd.s32 $0xFFFFE000  }
0x47: {  	s24 =	sadd.s32 $0x0, s17;
	[bflag:$0x0] =	sbarrier.arrive $0xFFFF  }
0x48: {  	[tilespmem:s2], [sflag:$0x1] =	stream.linear.gather [hbm4b:s24+s2], $0x80, $0x38;
	[tilespmem:$0x8880] =	vst v63  }
0x49: {  	_ =	swait.ge [sflag:s19], $0x80  }
0x4a: {  	[sflag:s19] =	ssyncset.done $0x0  }
0x4b: {  	[sflag:s19] =	ssyncadd.s32 $0xFFFFFF80  }
0x4c: {  	[spmem:s1] =	stream.indirect.scatter.add.f32 [tilespmem:s20], [sflag:$0x1], $0x10, s2, s20, $0xb8;
	[tilespmem:$0x8880] =	vst v63  }
0x4d: {  	_ =	swait.ge [sflag:s19], $0x800  }
0x4e: {  	s25 =	simm.s32 $0x20;
	s24 =	simm.s32 $0x10;
	[sflag:s19] =	ssyncset.done $0x0  }
.LBB2_6:
0x4f: {  	s26 =	sadd.s32 s24, s17  }
0x50: {  	[sflag:s19] =	ssyncadd.s32 $0xFFFFF800;
	s24 =	smov.u32 s25;
	s28 =	sadd.s32 $0x10, s25  }
0x51: {  	[tilespmem:s2], [sflag:$0x1] =	stream.linear.gather [hbm4b:s26+s2], $0x80, $0x38;
	[tilespmem:$0x8880] =	vst v63  }
0x52: {  	p1 =	sne.s32 s25, $0x4E0;
	_ =	swait.ge [sflag:s19], $0x80  }
.Ltmp2:
0x53: {  	[sflag:s19] =	ssyncset.done $0x0;
	(pc) =	sbr.rel @p1 .LBB2_6-.Ltmp2, $4  }
0x54: {  	[sflag:s19] =	ssyncadd.s32 $0xFFFFFF80  }
0x55: {  	[spmem:s1] =	stream.indirect.scatter.add.f32 [tilespmem:s20], [sflag:$0x1], $0x10, s2, s20, $0xb8;
	[tilespmem:$0x8880] =	vst v63  }
0x56: {  	_ =	swait.ge [sflag:s19], $0x800  }
0x57: {  	s25 =	smov.u32 s28;
	[sflag:s19] =	ssyncset.done $0x0  }
0x58: {  	s24 =	sadd.s32 s24, s17;
	[sflag:s19] =	ssyncadd.s32 $0xFFFFF800  }
0x59: {  	[tilespmem:s2], [sflag:$0x1] =	stream.linear.gather [hbm4b:s24+s2], $0x80, $0x38;
	[tilespmem:$0x8880] =	vst v63  }
0x5a: {  	_ =	swait.ge [sflag:s19], $0x80  }
0x5b: {  	[sflag:s19] =	ssyncset.done $0x0  }
0x5c: {  	[sflag:s19] =	ssyncadd.s32 $0xFFFFFF80  }
0x5d: {  	[spmem:s1] =	stream.indirect.scatter.add.f32 [tilespmem:s20], [sflag:$0x1], $0x10, s2, s20, $0xb8;
	[tilespmem:$0x8880] =	vst v63  }
0x5e: {  	_ =	swait.ge [sflag:s19], $0x800  }
0x5f: {  	[sflag:s19] =	ssyncset.done $0x0  }
0x60: {  	[sflag:s19] =	ssyncadd.s32 $0xFFFFF800  }
0x61: {  	s24 =	simm.s32 @p0 $0x1FC1;
	[bflag:$0x0] =	sbarrier.arrive $0xFFFF  }
0x62: {  	[hbm:s6], [sflag:s24] =	dma.local @p0 [spmem:s21], $0x2080  }
0x63: {  	s24 =	simm.s32 @p0 $0x1  }
0x64: {  	_ =	swait.ge @p0 [sflag:s24], $0x2080  }
0x65: {  	s25 =	sshll.u32 @!p0 s3, $0x6;
	s23 =	sadd.s32 $0x1, s23;
	[sflag:s24] =	ssyncset.done @p0 $0x0  }
0x66: {  	p1 =	sne.s32 s23, s7;
	[sflag:s24] =	ssyncadd.s32 @p0 $0xFFFFDF80;
	s24 =	sor.u32 @!p0 $0x1C01, s25  }
0x67: {  	[hbm:s5], [sflag:s24] =	dma.local @!p0 [spmem:s22], $0x2780  }
.Ltmp3:
0x68: {  	_ = 	snop;
	(pc) =	sbr.rel @p1 .LBB2_1-.Ltmp3, $4  }
0x69: {  	s24 =	simm.s32 @!p0 $0x1  }
0x6a: {  	_ =	swait.ge @!p0 [sflag:s24], $0x2780  }
0x6b: {  	[sflag:s24] =	ssyncset.done @!p0 $0x0  }
0x6c: {  	[sflag:s24] =	ssyncadd.s32 @!p0 $0xFFFFD880  }
0x6d: {  	_ =	sfence.sel $0x180000  }
0x6e: {  	[bflag:$0x0] =	sbarrier.arrive $0xFFFF  }
0x6f: {  	p0 =	sne.s32 s3, $0x0;
	_ =	strace $0x90000047  }
0x70: {  	s0 =	sadd.s32 @!p0 $0x100000, s0;
	[bflag:$0x2] =	sbarrier.arrive $0xFFFF  }
0x71: {  	[sflag:s0] =	ssyncadd.tile.s32 @!p0 $0x1;
	_ =	shalt  }
.Lfunc_end2:
_tile_overlayer_lowered:
.L_overlay_start_2:
0x72: {  	(tag) =	ssettag $0x2  }
0x73: {  	s0 =	rddreg [dreg:$0x0];
	s2 =	stileid.u32  }
0x74: {  	s1 =	rddreg [dreg:$0x1];
	p0 =	sne.s32 s2, $0x0  }
0x75: {  	s3 =	rddreg [dreg:$0x2];
	[bflag:$0x3] =	sbarrier.arrive $0xFFFF;
	s2 =	simm.s32 @!p0 $0x1C01  }
0x76: {  	[timem:s3], [sflag:s2] =	dma.local @!p0 [hbm:s0], s1  }
0x77: {  	s0 =	simm.s32 @!p0 $0x1  }
0x78: {  	_ =	swait.ge @!p0 [sflag:s0], s1  }
0x79: {  	s1 =	ssub.s32 @!p0 $0x0, s1;
	[sflag:s0] =	ssyncset.done @!p0 $0x0  }
0x7a: {  	[sflag:s0] =	ssyncadd.s32 @!p0 s1  }
0x7b: {  	[bflag:$0x3] =	sbarrier.arrive $0xFFFF  }
0x7c: {  	_ =	shalt  }

</sc_bundles>
